<compile_context>
chip_gen: v7x
topology: tpu7x:2x2x1
jax: 0.10.2.dev20260603
libtpu: 0.0.44.dev20260713+nightly
codegen_flags: <defaults>
</compile_context>

<pallas_src>
import functools

import jax
import jax.numpy as jnp
from jax import lax
from jax.experimental import pallas as pl
from jax.experimental.pallas import tpu as pltpu
from jax.experimental.pallas import tpu_sc as plsc

_NC = 2
_NS = 16
_NW = _NC * _NS
_L = 16
_CH = 128


def _sc_call(n_nodes, n_edges, d_feat, d_out):
    n_cols = n_edges // _CH
    cols_low = n_cols // _NW
    n_extra = n_cols % _NW
    n_iters = cols_low + (1 if n_extra else 0)
    n_iters += n_iters % 2

    mesh = plsc.VectorSubcoreMesh(core_axis_name="c", subcore_axis_name="s")

    @functools.partial(
        pl.kernel,
        out_type=jax.ShapeDtypeStruct((d_out, n_edges), jnp.float32),
        mesh=mesh,
        scratch_types=[
            pltpu.VMEM((n_nodes * 3,), jnp.float32),
            pltpu.VMEM((_CH,), jnp.int32),
            pltpu.VMEM((_CH,), jnp.int32),
            pltpu.VMEM((_CH,), jnp.int32),
            pltpu.VMEM((_CH,), jnp.int32),
            pltpu.VMEM((_CH, d_feat), jnp.float32),
            pltpu.VMEM((_CH, d_feat), jnp.float32),
            pltpu.VMEM((d_out, _CH), jnp.float32),
            pltpu.VMEM((d_out, _CH), jnp.float32),
            pltpu.SemaphoreType.DMA,
            pltpu.SemaphoreType.DMA,
            pltpu.SemaphoreType.DMA,
            pltpu.SemaphoreType.DMA,
            pltpu.SemaphoreType.DMA,
            pltpu.SemaphoreType.DMA,
            pltpu.SemaphoreType.DMA,
            pltpu.SemaphoreType.DMA,
        ],
        compiler_params=pltpu.CompilerParams(needs_layout_passes=False),
    )
    def sc_kernel(feat_hbm, posf_hbm, src_hbm, dst_hbm, out_hbm,
                  posv, sv0, sv1, dv0, dv1, fb0, fb1, bf0, bf1,
                  ssem0, ssem1, dsem0, dsem1, gsem0, gsem1, osem0, osem1):
        wid = lax.axis_index("s") * _NC + lax.axis_index("c")
        n_mine = cols_low + jnp.where(wid < n_extra, 1, 0)
        iota = jnp.arange(_L, dtype=jnp.int32)

        sv = (sv0, sv1)
        dv = (dv0, dv1)
        fb = (fb0, fb1)
        bf = (bf0, bf1)
        ssem = (ssem0, ssem1)
        dsem = (dsem0, dsem1)
        gsem = (gsem0, gsem1)
        osem = (osem0, osem1)

        def col_of(g):
            return wid + _NW * jnp.minimum(g, n_mine - 1)

        def issue_idx(g, b):
            base = col_of(g) * _CH
            pltpu.async_copy(src_hbm.at[pl.ds(base, _CH)], sv[b], ssem[b])
            pltpu.async_copy(dst_hbm.at[pl.ds(base, _CH)], dv[b], dsem[b])

        def wait_idx(b):
            pltpu.make_async_copy(src_hbm.at[pl.ds(0, _CH)], sv[b], ssem[b]).wait()
            pltpu.make_async_copy(dst_hbm.at[pl.ds(0, _CH)], dv[b], dsem[b]).wait()

        def issue_gather(b):
            pltpu.async_copy(feat_hbm.at[sv[b]], fb[b], gsem[b])

        def wait_gather(b):
            pltpu.make_async_copy(feat_hbm.at[sv[b]], fb[b], gsem[b]).wait()

        def issue_write(g, b):
            pltpu.async_copy(
                bf[b], out_hbm.at[:, pl.ds(col_of(g) * _CH, _CH)], osem[b])

        def wait_write(b):
            pltpu.make_async_copy(
                bf[b], out_hbm.at[:, pl.ds(0, _CH)], osem[b]).wait()

        def compute(b):
            svb, dvb, fbb, bfb = sv[b], dv[b], fb[b], bf[b]

            def rel_grp(i, c2):
                s16 = svb[pl.ds(i * _L, _L)]
                d16 = dvb[pl.ds(i * _L, _L)]
                e16 = iota + i * _L
                for c in range(3):
                    cc = jnp.full((_L,), c, dtype=jnp.int32)
                    ps = plsc.load_gather(posv, [s16 * 3 + c])
                    pd = plsc.load_gather(posv, [d16 * 3 + c])
                    plsc.store_scatter(bfb, [cc, e16], ps - pd)
                return c2

            lax.fori_loop(0, _CH // _L, rel_grp, 0)

            diag = [jnp.bitwise_and(iota + d, _L - 1) for d in range(_L)]
            n_cb = d_feat // _L

            def blk(i, c2):
                r16 = (i >> 3) * _L + iota
                cb = (jnp.bitwise_and(i, n_cb - 1)) * _L
                for h in range(2):
                    srcc = [cb + diag[h * 8 + d] for d in range(8)]
                    vals = [plsc.load_gather(fbb, [r16, srcc[d]])
                            for d in range(8)]
                    for d in range(8):
                        plsc.store_scatter(bfb, [srcc[d] + 3, r16], vals[d])
                return c2

            lax.fori_loop(0, (_CH // _L) * n_cb, blk, 0)

        def do_iter(g, b, i):
            wait_gather(b)
            wait_idx(1 - b)
            issue_gather(1 - b)

            @pl.when(i >= 1)
            def _():
                wait_write(b)

            compute(b)
            issue_write(g, b)
            issue_idx(g + 2, b)

        pltpu.sync_copy(posf_hbm, posv)
        issue_idx(0, 0)
        issue_idx(1, 1)
        wait_idx(0)
        issue_gather(0)

        def pair(i, carry):
            g0 = 2 * i
            do_iter(g0, 0, i)
            do_iter(g0 + 1, 1, i)
            return carry

        lax.fori_loop(0, n_iters // 2, pair, 0)

        wait_gather(0)
        wait_idx(1)
        wait_write(0)
        wait_write(1)

    return sc_kernel


def kernel(pos, feat, edge_index):
    n_nodes, d_feat = feat.shape
    n_edges = edge_index.shape[1]
    d_out = d_feat + 3
    pos_flat = pos.reshape(-1)
    src = edge_index[0].astype(jnp.int32)
    dst = edge_index[1].astype(jnp.int32)
    fn = _sc_call(n_nodes, n_edges, d_feat, d_out)
    out_t = fn(feat, pos_flat, src, dst)
    return out_t.T

# --- scband reference (transcript-rebuilt; emitter-appended) ---
"""Pipeline reference for scband-relative-position-message-72653666779298 (READ-ONLY COPY).

The authoritative reference and input builder live on the scoring server;
editing this copy changes nothing except your own understanding.
"""

import jax, jax.numpy as jnp
import numpy as np

N_NODES = 10000
N_EDGES = 320000
D_FEAT = 128


def setup_inputs(seed: int = 0) -> dict:
    key = jax.random.key(seed)
    k1, k2, k3 = jax.random.split(key, 3)
    pos = jax.random.normal(k1, (N_NODES, 3), dtype=jnp.float32)
    feat = jax.random.normal(k2, (N_NODES, D_FEAT), dtype=jnp.float32)
    edge_index = jax.random.randint(k3, (2, N_EDGES), 0, N_NODES, dtype=jnp.int64)
    return {"pos": pos, "feat": feat, "edge_index": edge_index}


def reference(pos, feat, edge_index):
    # DGL edge UDF semantics: edges.src['pos'] - edges.dst['pos'],
    # concat with edges.src['feat'] along dim 1 -> 'agg_feat' per edge.
    src = edge_index[0]
    dst = edge_index[1]
    rel_pos = jnp.take(pos, src, axis=0) - jnp.take(pos, dst, axis=0)
    src_feat = jnp.take(feat, src, axis=0)
    agg_feat = jnp.concatenate([rel_pos, src_feat], axis=1)
    return agg_feat

if __name__ == "__main__":
    import jax
    _d = setup_inputs()
    print(jax.jit(kernel)(*tuple(_d.values())))

</pallas_src>

<mosaic_0001>
#map = affine_map<(d0, d1) -> (0, 0)>
#map1 = affine_map<(d0, d1) -> (0)>
module attributes {stable_mosaic.version = 14 : i64} {
  func.func @sc_kernel(%arg0: i32, %arg1: i32, %arg2: memref<10000x128xf32, #tpu.memory_space<hbm>>, %arg3: memref<30000xf32, #tpu.memory_space<hbm>>, %arg4: memref<320000xi32, #tpu.memory_space<hbm>>, %arg5: memref<320000xi32, #tpu.memory_space<hbm>>, %arg6: memref<131x320000xf32, #tpu.memory_space<hbm>>, %arg7: memref<30000xf32, #tpu.memory_space<vmem>>, %arg8: memref<128xi32, #tpu.memory_space<vmem>>, %arg9: memref<128xi32, #tpu.memory_space<vmem>>, %arg10: memref<128xi32, #tpu.memory_space<vmem>>, %arg11: memref<128xi32, #tpu.memory_space<vmem>>, %arg12: memref<128x128xf32, #tpu.memory_space<vmem>>, %arg13: memref<128x128xf32, #tpu.memory_space<vmem>>, %arg14: memref<131x128xf32, #tpu.memory_space<vmem>>, %arg15: memref<131x128xf32, #tpu.memory_space<vmem>>, %arg16: memref<!tpu.dma_semaphore, #tpu.memory_space<semaphore_mem>>, %arg17: memref<!tpu.dma_semaphore, #tpu.memory_space<semaphore_mem>>, %arg18: memref<!tpu.dma_semaphore, #tpu.memory_space<semaphore_mem>>, %arg19: memref<!tpu.dma_semaphore, #tpu.memory_space<semaphore_mem>>, %arg20: memref<!tpu.dma_semaphore, #tpu.memory_space<semaphore_mem>>, %arg21: memref<!tpu.dma_semaphore, #tpu.memory_space<semaphore_mem>>, %arg22: memref<!tpu.dma_semaphore, #tpu.memory_space<semaphore_mem>>, %arg23: memref<!tpu.dma_semaphore, #tpu.memory_space<semaphore_mem>>) attributes {dimension_semantics = [#tpu.dimension_semantics<core_parallel>, #tpu.dimension_semantics<subcore_parallel>], iteration_bounds = array<i64: 2, 16>, scalar_prefetch = 0 : i64, scratch_operands = 17 : i64, tpu.core_type = #tpu.core_type<sc_vector_subcore>, window_params = [{transform_indices = #map}, {transform_indices = #map1}, {transform_indices = #map1}, {transform_indices = #map1}, {transform_indices = #map}]} {
    %mul3A = arith.constant 2 : i32
    %mul3A_0 = arith.muli %arg1, %mul3A : i32
    %add3A = arith.addi %mul3A_0, %arg0 : i32
    %lt3A = arith.constant 4 : i32
    %lt3A_1 = arith.cmpi slt, %add3A, %lt3A : i32
    %jit3A = arith.constant 1 : i32
    %jit3A_2 = arith.constant 0 : i32
    %select_n3A = arith.select %lt3A_1, %jit3A, %jit3A_2 : i32
    %add3A_3 = arith.constant 78 : i32
    %add3A_4 = arith.addi %add3A_3, %select_n3A : i32
    %iota3A = tpu.iota {dimensions = array<i32: 0>} : vector<16xi32>
    "tpu.region"() ({
      %run_scoped3A = tpu.sem_alloc : memref<!tpu.dma_semaphore, #tpu.memory_space<semaphore_mem>>
      tpu.enqueue_dma source(%arg3 : memref<30000xf32, #tpu.memory_space<hbm>>) target(%arg7 : memref<30000xf32, #tpu.memory_space<vmem>>) target_semaphore(%run_scoped3A : memref<!tpu.dma_semaphore, #tpu.memory_space<semaphore_mem>>)
      tpu.wait_dma2 semaphore(%run_scoped3A : memref<!tpu.dma_semaphore, #tpu.memory_space<semaphore_mem>>) src(%arg3 : memref<30000xf32, #tpu.memory_space<hbm>>) dst(%arg7 : memref<30000xf32, #tpu.memory_space<vmem>>)
      tpu.yield
    }) : () -> ()
    %sub3A = arith.constant 1 : i32
    %sub3A_5 = arith.subi %add3A_4, %sub3A : i32
    %min3A = arith.constant 0 : i32
    %min3A_6 = arith.minsi %min3A, %sub3A_5 : i32
    %mul3A_7 = arith.constant 32 : i32
    %mul3A_8 = arith.muli %mul3A_7, %min3A_6 : i32
    %add3A_9 = arith.addi %add3A, %mul3A_8 : i32
    %mul3A_10 = arith.constant 128 : i32
    %mul3A_11 = arith.muli %add3A_9, %mul3A_10 : i32
    %dma_start3A = tpu.memref_slice %arg4[%mul3A_11] : memref<320000xi32, #tpu.memory_space<hbm>> -> memref<128xi32, #tpu.memory_space<hbm>>
    %dma_start3A_12 = tpu.memref_slice %arg4[%mul3A_11] : memref<320000xi32, #tpu.memory_space<hbm>> -> memref<128xi32, #tpu.memory_space<hbm>>
    tpu.enqueue_dma source(%dma_start3A_12 : memref<128xi32, #tpu.memory_space<hbm>>) target(%arg8 : memref<128xi32, #tpu.memory_space<vmem>>) target_semaphore(%arg16 : memref<!tpu.dma_semaphore, #tpu.memory_space<semaphore_mem>>)
    %dma_start3A_13 = tpu.memref_slice %arg5[%mul3A_11] : memref<320000xi32, #tpu.memory_space<hbm>> -> memref<128xi32, #tpu.memory_space<hbm>>
    %dma_start3A_14 = tpu.memref_slice %arg5[%mul3A_11] : memref<320000xi32, #tpu.memory_space<hbm>> -> memref<128xi32, #tpu.memory_space<hbm>>
    tpu.enqueue_dma source(%dma_start3A_14 : memref<128xi32, #tpu.memory_space<hbm>>) target(%arg10 : memref<128xi32, #tpu.memory_space<vmem>>) target_semaphore(%arg18 : memref<!tpu.dma_semaphore, #tpu.memory_space<semaphore_mem>>)
    %sub3A_15 = arith.constant 1 : i32
    %sub3A_16 = arith.subi %add3A_4, %sub3A_15 : i32
    %min3A_17 = arith.constant 1 : i32
    %min3A_18 = arith.minsi %min3A_17, %sub3A_16 : i32
    %mul3A_19 = arith.constant 32 : i32
    %mul3A_20 = arith.muli %mul3A_19, %min3A_18 : i32
    %add3A_21 = arith.addi %add3A, %mul3A_20 : i32
    %mul3A_22 = arith.constant 128 : i32
    %mul3A_23 = arith.muli %add3A_21, %mul3A_22 : i32
    %dma_start3A_24 = tpu.memref_slice %arg4[%mul3A_23] : memref<320000xi32, #tpu.memory_space<hbm>> -> memref<128xi32, #tpu.memory_space<hbm>>
    %dma_start3A_25 = tpu.memref_slice %arg4[%mul3A_23] : memref<320000xi32, #tpu.memory_space<hbm>> -> memref<128xi32, #tpu.memory_space<hbm>>
    tpu.enqueue_dma source(%dma_start3A_25 : memref<128xi32, #tpu.memory_space<hbm>>) target(%arg9 : memref<128xi32, #tpu.memory_space<vmem>>) target_semaphore(%arg17 : memref<!tpu.dma_semaphore, #tpu.memory_space<semaphore_mem>>)
    %dma_start3A_26 = tpu.memref_slice %arg5[%mul3A_23] : memref<320000xi32, #tpu.memory_space<hbm>> -> memref<128xi32, #tpu.memory_space<hbm>>
    %dma_start3A_27 = tpu.memref_slice %arg5[%mul3A_23] : memref<320000xi32, #tpu.memory_space<hbm>> -> memref<128xi32, #tpu.memory_space<hbm>>
    tpu.enqueue_dma source(%dma_start3A_27 : memref<128xi32, #tpu.memory_space<hbm>>) target(%arg11 : memref<128xi32, #tpu.memory_space<vmem>>) target_semaphore(%arg19 : memref<!tpu.dma_semaphore, #tpu.memory_space<semaphore_mem>>)
    %dma_wait3A = arith.constant 0 : i32
    %dma_wait3A_28 = tpu.memref_slice %arg4[%dma_wait3A] : memref<320000xi32, #tpu.memory_space<hbm>> -> memref<128xi32, #tpu.memory_space<hbm>>
    %dma_wait3A_29 = arith.constant 0 : i32
    %dma_wait3A_30 = tpu.memref_slice %arg4[%dma_wait3A_29] : memref<320000xi32, #tpu.memory_space<hbm>> -> memref<128xi32, #tpu.memory_space<hbm>>
    tpu.wait_dma2 semaphore(%arg16 : memref<!tpu.dma_semaphore, #tpu.memory_space<semaphore_mem>>) src(%dma_wait3A_30 : memref<128xi32, #tpu.memory_space<hbm>>) dst(%arg8 : memref<128xi32, #tpu.memory_space<vmem>>)
    %dma_wait3A_31 = arith.constant 0 : i32
    %dma_wait3A_32 = tpu.memref_slice %arg5[%dma_wait3A_31] : memref<320000xi32, #tpu.memory_space<hbm>> -> memref<128xi32, #tpu.memory_space<hbm>>
    %dma_wait3A_33 = arith.constant 0 : i32
    %dma_wait3A_34 = tpu.memref_slice %arg5[%dma_wait3A_33] : memref<320000xi32, #tpu.memory_space<hbm>> -> memref<128xi32, #tpu.memory_space<hbm>>
    tpu.wait_dma2 semaphore(%arg18 : memref<!tpu.dma_semaphore, #tpu.memory_space<semaphore_mem>>) src(%dma_wait3A_34 : memref<128xi32, #tpu.memory_space<hbm>>) dst(%arg10 : memref<128xi32, #tpu.memory_space<vmem>>)
    %dma_start3A_35 = arith.constant 0 : i32
    %dma_start3A_36 = arith.constant 0 : i32
    %dma_start3A_37 = tpu.memref_slice %arg2[%dma_start3A_35, %dma_start3A_36] : memref<10000x128xf32, #tpu.memory_space<hbm>> -> memref<10000x128xf32, #tpu.memory_space<hbm>>
    tpu.enqueue_indirect_dma source(%dma_start3A_37 : memref<10000x128xf32, #tpu.memory_space<hbm>>) target(%arg12 : memref<128x128xf32, #tpu.memory_space<vmem>>) offsets(%arg8 : memref<128xi32, #tpu.memory_space<vmem>>) semaphore(%arg20 : memref<!tpu.dma_semaphore, #tpu.memory_space<semaphore_mem>>)
    %scan3A = arith.constant 0 : i32
    %scan3A_38 = arith.constant 0 : i32
    %scan3A_39 = arith.constant 40 : i32
    %scan3A_40 = arith.addi %scan3A_38, %scan3A_39 : i32
    %scan3A_41 = arith.constant 1 : i32
    scf.for %scan3A_66 = %scan3A_38 to %scan3A_40 step %scan3A_41  : i32 {
      %mul3A_67 = arith.constant 2 : i32
      %mul3A_68 = arith.muli %mul3A_67, %scan3A_66 : i32
      %dma_wait3A_69 = arith.constant 0 : i32
      %dma_wait3A_70 = arith.constant 0 : i32
      %dma_wait3A_71 = tpu.memref_slice %arg2[%dma_wait3A_69, %dma_wait3A_70] : memref<10000x128xf32, #tpu.memory_space<hbm>> -> memref<10000x128xf32, #tpu.memory_space<hbm>>
      tpu.wait_indirect_dma semaphore(%arg20 : memref<!tpu.dma_semaphore, #tpu.memory_space<semaphore_mem>>) src(%dma_wait3A_71 : memref<10000x128xf32, #tpu.memory_space<hbm>>) dst(%arg12 : memref<128x128xf32, #tpu.memory_space<vmem>>)
      %dma_wait3A_72 = arith.constant 0 : i32
      %dma_wait3A_73 = tpu.memref_slice %arg4[%dma_wait3A_72] : memref<320000xi32, #tpu.memory_space<hbm>> -> memref<128xi32, #tpu.memory_space<hbm>>
      %dma_wait3A_74 = arith.constant 0 : i32
      %dma_wait3A_75 = tpu.memref_slice %arg4[%dma_wait3A_74] : memref<320000xi32, #tpu.memory_space<hbm>> -> memref<128xi32, #tpu.memory_space<hbm>>
      tpu.wait_dma2 semaphore(%arg17 : memref<!tpu.dma_semaphore, #tpu.memory_space<semaphore_mem>>) src(%dma_wait3A_75 : memref<128xi32, #tpu.memory_space<hbm>>) dst(%arg9 : memref<128xi32, #tpu.memory_space<vmem>>)
      %dma_wait3A_76 = arith.constant 0 : i32
      %dma_wait3A_77 = tpu.memref_slice %arg5[%dma_wait3A_76] : memref<320000xi32, #tpu.memory_space<hbm>> -> memref<128xi32, #tpu.memory_space<hbm>>
      %dma_wait3A_78 = arith.constant 0 : i32
      %dma_wait3A_79 = tpu.memref_slice %arg5[%dma_wait3A_78] : memref<320000xi32, #tpu.memory_space<hbm>> -> memref<128xi32, #tpu.memory_space<hbm>>
      tpu.wait_dma2 semaphore(%arg19 : memref<!tpu.dma_semaphore, #tpu.memory_space<semaphore_mem>>) src(%dma_wait3A_79 : memref<128xi32, #tpu.memory_space<hbm>>) dst(%arg11 : memref<128xi32, #tpu.memory_space<vmem>>)
      %dma_start3A_80 = arith.constant 0 : i32
      %dma_start3A_81 = arith.constant 0 : i32
      %dma_start3A_82 = tpu.memref_slice %arg2[%dma_start3A_80, %dma_start3A_81] : memref<10000x128xf32, #tpu.memory_space<hbm>> -> memref<10000x128xf32, #tpu.memory_space<hbm>>
      tpu.enqueue_indirect_dma source(%dma_start3A_82 : memref<10000x128xf32, #tpu.memory_space<hbm>>) target(%arg13 : memref<128x128xf32, #tpu.memory_space<vmem>>) offsets(%arg9 : memref<128xi32, #tpu.memory_space<vmem>>) semaphore(%arg21 : memref<!tpu.dma_semaphore, #tpu.memory_space<semaphore_mem>>)
      %ge3A = arith.constant 1 : i32
      %ge3A_83 = arith.cmpi sge, %scan3A_66, %ge3A : i32
      %convert_element_type3A = arith.extui %ge3A_83 : i1 to i32
      %cond3A = arith.constant 0 : i32
      %cond3A_84 = arith.cmpi ne, %convert_element_type3A, %cond3A : i32
      scf.if %cond3A_84 {
        %dma_wait3A_373 = arith.constant 0 : i32
        %dma_wait3A_374 = arith.constant 0 : i32
        %dma_wait3A_375 = tpu.memref_slice %arg6[%dma_wait3A_373, %dma_wait3A_374] : memref<131x320000xf32, #tpu.memory_space<hbm>> -> memref<131x128xf32, #tpu.memory_space<hbm>>
        %dma_wait3A_376 = arith.constant 0 : i32
        %dma_wait3A_377 = arith.constant 0 : i32
        %dma_wait3A_378 = tpu.memref_slice %arg6[%dma_wait3A_376, %dma_wait3A_377] : memref<131x320000xf32, #tpu.memory_space<hbm>> -> memref<131x128xf32, #tpu.memory_space<hbm>>
        tpu.wait_dma2 semaphore(%arg22 : memref<!tpu.dma_semaphore, #tpu.memory_space<semaphore_mem>>) src(%arg14 : memref<131x128xf32, #tpu.memory_space<vmem>>) dst(%dma_wait3A_378 : memref<131x128xf32, #tpu.memory_space<hbm>>)
      } else {
      }
      %scan3A_85 = arith.constant 0 : i32
      %scan3A_86 = arith.constant 0 : i32
      %scan3A_87 = arith.constant 8 : i32
      %scan3A_88 = arith.addi %scan3A_86, %scan3A_87 : i32
      %scan3A_89 = arith.constant 1 : i32
      scf.for %scan3A_373 = %scan3A_86 to %scan3A_88 step %scan3A_89  : i32 {
        %mul3A_374 = arith.constant 16 : i32
        %mul3A_375 = arith.muli %scan3A_373, %mul3A_374 : i32
        %get3A = arith.index_cast %mul3A_375 : i32 to index
        %get3A_376 = tpu.vector_load %arg8[%get3A] {strides = array<i32>} : memref<128xi32, #tpu.memory_space<vmem>>, vector<16xi32>,
        %mul3A_377 = arith.constant 16 : i32
        %mul3A_378 = arith.muli %scan3A_373, %mul3A_377 : i32
        %get3A_379 = arith.index_cast %mul3A_378 : i32 to index
        %get3A_380 = tpu.vector_load %arg10[%get3A_379] {strides = array<i32>} : memref<128xi32, #tpu.memory_space<vmem>>, vector<16xi32>,
        %mul3A_381 = arith.constant 16 : i32
        %mul3A_382 = arith.muli %scan3A_373, %mul3A_381 : i32
        %add3A_383 = vector.broadcast %mul3A_382 : i32 to vector<16xi32>
        %add3A_384 = arith.addi %iota3A, %add3A_383 : vector<16xi32>
        %broadcast_in_dim3A = arith.constant 0 : i32
        %broadcast_in_dim3A_385 = vector.broadcast %broadcast_in_dim3A : i32 to vector<16xi32>
        %mul3A_386 = arith.constant 3 : i32
        %mul3A_387 = vector.broadcast %mul3A_386 : i32 to vector<16xi32>
        %mul3A_388 = arith.muli %get3A_376, %mul3A_387 : vector<16xi32>
        %add3A_389 = arith.constant 0 : i32
        %add3A_390 = vector.broadcast %add3A_389 : i32 to vector<16xi32>
        %add3A_391 = arith.addi %mul3A_388, %add3A_390 : vector<16xi32>
        %gather3A = tpu.vector_load_idx %arg7[%add3A_391] : memref<30000xf32, #tpu.memory_space<vmem>>[vector<16xi32>], vector<16xf32>,
        %mul3A_392 = arith.constant 3 : i32
        %mul3A_393 = vector.broadcast %mul3A_392 : i32 to vector<16xi32>
        %mul3A_394 = arith.muli %get3A_380, %mul3A_393 : vector<16xi32>
        %add3A_395 = arith.constant 0 : i32
        %add3A_396 = vector.broadcast %add3A_395 : i32 to vector<16xi32>
        %add3A_397 = arith.addi %mul3A_394, %add3A_396 : vector<16xi32>
        %gather3A_398 = tpu.vector_load_idx %arg7[%add3A_397] : memref<30000xf32, #tpu.memory_space<vmem>>[vector<16xi32>], vector<16xf32>,
        %sub3A_399 = arith.subf %gather3A, %gather3A_398 : vector<16xf32>
        tpu.vector_store_idx %arg14[%broadcast_in_dim3A_385, %add3A_384], %sub3A_399 : memref<131x128xf32, #tpu.memory_space<vmem>>[vector<16xi32>, vector<16xi32>], vector<16xf32>,
        %broadcast_in_dim3A_400 = arith.constant 1 : i32
        %broadcast_in_dim3A_401 = vector.broadcast %broadcast_in_dim3A_400 : i32 to vector<16xi32>
        %mul3A_402 = arith.constant 3 : i32
        %mul3A_403 = vector.broadcast %mul3A_402 : i32 to vector<16xi32>
        %mul3A_404 = arith.muli %get3A_376, %mul3A_403 : vector<16xi32>
        %add3A_405 = arith.constant 1 : i32
        %add3A_406 = vector.broadcast %add3A_405 : i32 to vector<16xi32>
        %add3A_407 = arith.addi %mul3A_404, %add3A_406 : vector<16xi32>
        %gather3A_408 = tpu.vector_load_idx %arg7[%add3A_407] : memref<30000xf32, #tpu.memory_space<vmem>>[vector<16xi32>], vector<16xf32>,
        %mul3A_409 = arith.constant 3 : i32
        %mul3A_410 = vector.broadcast %mul3A_409 : i32 to vector<16xi32>
        %mul3A_411 = arith.muli %get3A_380, %mul3A_410 : vector<16xi32>
        %add3A_412 = arith.constant 1 : i32
        %add3A_413 = vector.broadcast %add3A_412 : i32 to vector<16xi32>
        %add3A_414 = arith.addi %mul3A_411, %add3A_413 : vector<16xi32>
        %gather3A_415 = tpu.vector_load_idx %arg7[%add3A_414] : memref<30000xf32, #tpu.memory_space<vmem>>[vector<16xi32>], vector<16xf32>,
        %sub3A_416 = arith.subf %gather3A_408, %gather3A_415 : vector<16xf32>
        tpu.vector_store_idx %arg14[%broadcast_in_dim3A_401, %add3A_384], %sub3A_416 : memref<131x128xf32, #tpu.memory_space<vmem>>[vector<16xi32>, vector<16xi32>], vector<16xf32>,
        %broadcast_in_dim3A_417 = arith.constant 2 : i32
        %broadcast_in_dim3A_418 = vector.broadcast %broadcast_in_dim3A_417 : i32 to vector<16xi32>
        %mul3A_419 = arith.constant 3 : i32
        %mul3A_420 = vector.broadcast %mul3A_419 : i32 to vector<16xi32>
        %mul3A_421 = arith.muli %get3A_376, %mul3A_420 : vector<16xi32>
        %add3A_422 = arith.constant 2 : i32
        %add3A_423 = vector.broadcast %add3A_422 : i32 to vector<16xi32>
        %add3A_424 = arith.addi %mul3A_421, %add3A_423 : vector<16xi32>
        %gather3A_425 = tpu.vector_load_idx %arg7[%add3A_424] : memref<30000xf32, #tpu.memory_space<vmem>>[vector<16xi32>], vector<16xf32>,
        %mul3A_426 = arith.constant 3 : i32
        %mul3A_427 = vector.broadcast %mul3A_426 : i32 to vector<16xi32>
        %mul3A_428 = arith.muli %get3A_380, %mul3A_427 : vector<16xi32>
        %add3A_429 = arith.constant 2 : i32
        %add3A_430 = vector.broadcast %add3A_429 : i32 to vector<16xi32>
        %add3A_431 = arith.addi %mul3A_428, %add3A_430 : vector<16xi32>
        %gather3A_432 = tpu.vector_load_idx %arg7[%add3A_431] : memref<30000xf32, #tpu.memory_space<vmem>>[vector<16xi32>], vector<16xf32>,
        %sub3A_433 = arith.subf %gather3A_425, %gather3A_432 : vector<16xf32>
        tpu.vector_store_idx %arg14[%broadcast_in_dim3A_418, %add3A_384], %sub3A_433 : memref<131x128xf32, #tpu.memory_space<vmem>>[vector<16xi32>, vector<16xi32>], vector<16xf32>,
      }
      %scan3A_90 = arith.constant 8 : i32
      %add3A_91 = arith.constant 0 : i32
      %add3A_92 = vector.broadcast %add3A_91 : i32 to vector<16xi32>
      %add3A_93 = arith.addi %iota3A, %add3A_92 : vector<16xi32>
      %and3A = arith.constant 15 : i32
      %and3A_94 = vector.broadcast %and3A : i32 to vector<16xi32>
      %and3A_95 = arith.andi %add3A_93, %and3A_94 : vector<16xi32>
      %add3A_96 = arith.constant 1 : i32
      %add3A_97 = vector.broadcast %add3A_96 : i32 to vector<16xi32>
      %add3A_98 = arith.addi %iota3A, %add3A_97 : vector<16xi32>
      %and3A_99 = arith.constant 15 : i32
      %and3A_100 = vector.broadcast %and3A_99 : i32 to vector<16xi32>
      %and3A_101 = arith.andi %add3A_98, %and3A_100 : vector<16xi32>
      %add3A_102 = arith.constant 2 : i32
      %add3A_103 = vector.broadcast %add3A_102 : i32 to vector<16xi32>
      %add3A_104 = arith.addi %iota3A, %add3A_103 : vector<16xi32>
      %and3A_105 = arith.constant 15 : i32
      %and3A_106 = vector.broadcast %and3A_105 : i32 to vector<16xi32>
      %and3A_107 = arith.andi %add3A_104, %and3A_106 : vector<16xi32>
      %add3A_108 = arith.constant 3 : i32
      %add3A_109 = vector.broadcast %add3A_108 : i32 to vector<16xi32>
      %add3A_110 = arith.addi %iota3A, %add3A_109 : vector<16xi32>
      %and3A_111 = arith.constant 15 : i32
      %and3A_112 = vector.broadcast %and3A_111 : i32 to vector<16xi32>
      %and3A_113 = arith.andi %add3A_110, %and3A_112 : vector<16xi32>
      %add3A_114 = arith.constant 4 : i32
      %add3A_115 = vector.broadcast %add3A_114 : i32 to vector<16xi32>
      %add3A_116 = arith.addi %iota3A, %add3A_115 : vector<16xi32>
      %and3A_117 = arith.constant 15 : i32
      %and3A_118 = vector.broadcast %and3A_117 : i32 to vector<16xi32>
      %and3A_119 = arith.andi %add3A_116, %and3A_118 : vector<16xi32>
      %add3A_120 = arith.constant 5 : i32
      %add3A_121 = vector.broadcast %add3A_120 : i32 to vector<16xi32>
      %add3A_122 = arith.addi %iota3A, %add3A_121 : vector<16xi32>
      %and3A_123 = arith.constant 15 : i32
      %and3A_124 = vector.broadcast %and3A_123 : i32 to vector<16xi32>
      %and3A_125 = arith.andi %add3A_122, %and3A_124 : vector<16xi32>
      %add3A_126 = arith.constant 6 : i32
      %add3A_127 = vector.broadcast %add3A_126 : i32 to vector<16xi32>
      %add3A_128 = arith.addi %iota3A, %add3A_127 : vector<16xi32>
      %and3A_129 = arith.constant 15 : i32
      %and3A_130 = vector.broadcast %and3A_129 : i32 to vector<16xi32>
      %and3A_131 = arith.andi %add3A_128, %and3A_130 : vector<16xi32>
      %add3A_132 = arith.constant 7 : i32
      %add3A_133 = vector.broadcast %add3A_132 : i32 to vector<16xi32>
      %add3A_134 = arith.addi %iota3A, %add3A_133 : vector<16xi32>
      %and3A_135 = arith.constant 15 : i32
      %and3A_136 = vector.broadcast %and3A_135 : i32 to vector<16xi32>
      %and3A_137 = arith.andi %add3A_134, %and3A_136 : vector<16xi32>
      %add3A_138 = arith.constant 8 : i32
      %add3A_139 = vector.broadcast %add3A_138 : i32 to vector<16xi32>
      %add3A_140 = arith.addi %iota3A, %add3A_139 : vector<16xi32>
      %and3A_141 = arith.constant 15 : i32
      %and3A_142 = vector.broadcast %and3A_141 : i32 to vector<16xi32>
      %and3A_143 = arith.andi %add3A_140, %and3A_142 : vector<16xi32>
      %add3A_144 = arith.constant 9 : i32
      %add3A_145 = vector.broadcast %add3A_144 : i32 to vector<16xi32>
      %add3A_146 = arith.addi %iota3A, %add3A_145 : vector<16xi32>
      %and3A_147 = arith.constant 15 : i32
      %and3A_148 = vector.broadcast %and3A_147 : i32 to vector<16xi32>
      %and3A_149 = arith.andi %add3A_146, %and3A_148 : vector<16xi32>
      %add3A_150 = arith.constant 10 : i32
      %add3A_151 = vector.broadcast %add3A_150 : i32 to vector<16xi32>
      %add3A_152 = arith.addi %iota3A, %add3A_151 : vector<16xi32>
      %and3A_153 = arith.constant 15 : i32
      %and3A_154 = vector.broadcast %and3A_153 : i32 to vector<16xi32>
      %and3A_155 = arith.andi %add3A_152, %and3A_154 : vector<16xi32>
      %add3A_156 = arith.constant 11 : i32
      %add3A_157 = vector.broadcast %add3A_156 : i32 to vector<16xi32>
      %add3A_158 = arith.addi %iota3A, %add3A_157 : vector<16xi32>
      %and3A_159 = arith.constant 15 : i32
      %and3A_160 = vector.broadcast %and3A_159 : i32 to vector<16xi32>
      %and3A_161 = arith.andi %add3A_158, %and3A_160 : vector<16xi32>
      %add3A_162 = arith.constant 12 : i32
      %add3A_163 = vector.broadcast %add3A_162 : i32 to vector<16xi32>
      %add3A_164 = arith.addi %iota3A, %add3A_163 : vector<16xi32>
      %and3A_165 = arith.constant 15 : i32
      %and3A_166 = vector.broadcast %and3A_165 : i32 to vector<16xi32>
      %and3A_167 = arith.andi %add3A_164, %and3A_166 : vector<16xi32>
      %add3A_168 = arith.constant 13 : i32
      %add3A_169 = vector.broadcast %add3A_168 : i32 to vector<16xi32>
      %add3A_170 = arith.addi %iota3A, %add3A_169 : vector<16xi32>
      %and3A_171 = arith.constant 15 : i32
      %and3A_172 = vector.broadcast %and3A_171 : i32 to vector<16xi32>
      %and3A_173 = arith.andi %add3A_170, %and3A_172 : vector<16xi32>
      %add3A_174 = arith.constant 14 : i32
      %add3A_175 = vector.broadcast %add3A_174 : i32 to vector<16xi32>
      %add3A_176 = arith.addi %iota3A, %add3A_175 : vector<16xi32>
      %and3A_177 = arith.constant 15 : i32
      %and3A_178 = vector.broadcast %and3A_177 : i32 to vector<16xi32>
      %and3A_179 = arith.andi %add3A_176, %and3A_178 : vector<16xi32>
      %add3A_180 = arith.constant 15 : i32
      %add3A_181 = vector.broadcast %add3A_180 : i32 to vector<16xi32>
      %add3A_182 = arith.addi %iota3A, %add3A_181 : vector<16xi32>
      %and3A_183 = arith.constant 15 : i32
      %and3A_184 = vector.broadcast %and3A_183 : i32 to vector<16xi32>
      %and3A_185 = arith.andi %add3A_182, %and3A_184 : vector<16xi32>
      %scan3A_186 = arith.constant 0 : i32
      %scan3A_187 = arith.constant 0 : i32
      %scan3A_188 = arith.constant 64 : i32
      %scan3A_189 = arith.addi %scan3A_187, %scan3A_188 : i32
      %scan3A_190 = arith.constant 1 : i32
      scf.for %scan3A_373 = %scan3A_187 to %scan3A_189 step %scan3A_190  : i32 {
        %shift_right_arithmetic3A = arith.constant 3 : i32
        %shift_right_arithmetic3A_374 = arith.shrsi %scan3A_373, %shift_right_arithmetic3A : i32
        %mul3A_375 = arith.constant 16 : i32
        %mul3A_376 = arith.muli %shift_right_arithmetic3A_374, %mul3A_375 : i32
        %add3A_377 = vector.broadcast %mul3A_376 : i32 to vector<16xi32>
        %add3A_378 = arith.addi %add3A_377, %iota3A : vector<16xi32>
        %and3A_379 = arith.constant 7 : i32
        %and3A_380 = arith.andi %scan3A_373, %and3A_379 : i32
        %mul3A_381 = arith.constant 16 : i32
        %mul3A_382 = arith.muli %and3A_380, %mul3A_381 : i32
        %add3A_383 = vector.broadcast %mul3A_382 : i32 to vector<16xi32>
        %add3A_384 = arith.addi %add3A_383, %and3A_95 : vector<16xi32>
        %add3A_385 = vector.broadcast %mul3A_382 : i32 to vector<16xi32>
        %add3A_386 = arith.addi %add3A_385, %and3A_101 : vector<16xi32>
        %add3A_387 = vector.broadcast %mul3A_382 : i32 to vector<16xi32>
        %add3A_388 = arith.addi %add3A_387, %and3A_107 : vector<16xi32>
        %add3A_389 = vector.broadcast %mul3A_382 : i32 to vector<16xi32>
        %add3A_390 = arith.addi %add3A_389, %and3A_113 : vector<16xi32>
        %add3A_391 = vector.broadcast %mul3A_382 : i32 to vector<16xi32>
        %add3A_392 = arith.addi %add3A_391, %and3A_119 : vector<16xi32>
        %add3A_393 = vector.broadcast %mul3A_382 : i32 to vector<16xi32>
        %add3A_394 = arith.addi %add3A_393, %and3A_125 : vector<16xi32>
        %add3A_395 = vector.broadcast %mul3A_382 : i32 to vector<16xi32>
        %add3A_396 = arith.addi %add3A_395, %and3A_131 : vector<16xi32>
        %add3A_397 = vector.broadcast %mul3A_382 : i32 to vector<16xi32>
        %add3A_398 = arith.addi %add3A_397, %and3A_137 : vector<16xi32>
        %gather3A = tpu.vector_load_idx %arg12[%add3A_378, %add3A_384] : memref<128x128xf32, #tpu.memory_space<vmem>>[vector<16xi32>, vector<16xi32>], vector<16xf32>,
        %gather3A_399 = tpu.vector_load_idx %arg12[%add3A_378, %add3A_386] : memref<128x128xf32, #tpu.memory_space<vmem>>[vector<16xi32>, vector<16xi32>], vector<16xf32>,
        %gather3A_400 = tpu.vector_load_idx %arg12[%add3A_378, %add3A_388] : memref<128x128xf32, #tpu.memory_space<vmem>>[vector<16xi32>, vector<16xi32>], vector<16xf32>,
        %gather3A_401 = tpu.vector_load_idx %arg12[%add3A_378, %add3A_390] : memref<128x128xf32, #tpu.memory_space<vmem>>[vector<16xi32>, vector<16xi32>], vector<16xf32>,
        %gather3A_402 = tpu.vector_load_idx %arg12[%add3A_378, %add3A_392] : memref<128x128xf32, #tpu.memory_space<vmem>>[vector<16xi32>, vector<16xi32>], vector<16xf32>,
        %gather3A_403 = tpu.vector_load_idx %arg12[%add3A_378, %add3A_394] : memref<128x128xf32, #tpu.memory_space<vmem>>[vector<16xi32>, vector<16xi32>], vector<16xf32>,
        %gather3A_404 = tpu.vector_load_idx %arg12[%add3A_378, %add3A_396] : memref<128x128xf32, #tpu.memory_space<vmem>>[vector<16xi32>, vector<16xi32>], vector<16xf32>,
        %gather3A_405 = tpu.vector_load_idx %arg12[%add3A_378, %add3A_398] : memref<128x128xf32, #tpu.memory_space<vmem>>[vector<16xi32>, vector<16xi32>], vector<16xf32>,
        %add3A_406 = arith.constant 3 : i32
        %add3A_407 = vector.broadcast %add3A_406 : i32 to vector<16xi32>
        %add3A_408 = arith.addi %add3A_384, %add3A_407 : vector<16xi32>
        tpu.vector_store_idx %arg14[%add3A_408, %add3A_378], %gather3A : memref<131x128xf32, #tpu.memory_space<vmem>>[vector<16xi32>, vector<16xi32>], vector<16xf32>,
        %add3A_409 = arith.constant 3 : i32
        %add3A_410 = vector.broadcast %add3A_409 : i32 to vector<16xi32>
        %add3A_411 = arith.addi %add3A_386, %add3A_410 : vector<16xi32>
        tpu.vector_store_idx %arg14[%add3A_411, %add3A_378], %gather3A_399 : memref<131x128xf32, #tpu.memory_space<vmem>>[vector<16xi32>, vector<16xi32>], vector<16xf32>,
        %add3A_412 = arith.constant 3 : i32
        %add3A_413 = vector.broadcast %add3A_412 : i32 to vector<16xi32>
        %add3A_414 = arith.addi %add3A_388, %add3A_413 : vector<16xi32>
        tpu.vector_store_idx %arg14[%add3A_414, %add3A_378], %gather3A_400 : memref<131x128xf32, #tpu.memory_space<vmem>>[vector<16xi32>, vector<16xi32>], vector<16xf32>,
        %add3A_415 = arith.constant 3 : i32
        %add3A_416 = vector.broadcast %add3A_415 : i32 to vector<16xi32>
        %add3A_417 = arith.addi %add3A_390, %add3A_416 : vector<16xi32>
        tpu.vector_store_idx %arg14[%add3A_417, %add3A_378], %gather3A_401 : memref<131x128xf32, #tpu.memory_space<vmem>>[vector<16xi32>, vector<16xi32>], vector<16xf32>,
        %add3A_418 = arith.constant 3 : i32
        %add3A_419 = vector.broadcast %add3A_418 : i32 to vector<16xi32>
        %add3A_420 = arith.addi %add3A_392, %add3A_419 : vector<16xi32>
        tpu.vector_store_idx %arg14[%add3A_420, %add3A_378], %gather3A_402 : memref<131x128xf32, #tpu.memory_space<vmem>>[vector<16xi32>, vector<16xi32>], vector<16xf32>,
        %add3A_421 = arith.constant 3 : i32
        %add3A_422 = vector.broadcast %add3A_421 : i32 to vector<16xi32>
        %add3A_423 = arith.addi %add3A_394, %add3A_422 : vector<16xi32>
        tpu.vector_store_idx %arg14[%add3A_423, %add3A_378], %gather3A_403 : memref<131x128xf32, #tpu.memory_space<vmem>>[vector<16xi32>, vector<16xi32>], vector<16xf32>,
        %add3A_424 = arith.constant 3 : i32
        %add3A_425 = vector.broadcast %add3A_424 : i32 to vector<16xi32>
        %add3A_426 = arith.addi %add3A_396, %add3A_425 : vector<16xi32>
        tpu.vector_store_idx %arg14[%add3A_426, %add3A_378], %gather3A_404 : memref<131x128xf32, #tpu.memory_space<vmem>>[vector<16xi32>, vector<16xi32>], vector<16xf32>,
        %add3A_427 = arith.constant 3 : i32
        %add3A_428 = vector.broadcast %add3A_427 : i32 to vector<16xi32>
        %add3A_429 = arith.addi %add3A_398, %add3A_428 : vector<16xi32>
        tpu.vector_store_idx %arg14[%add3A_429, %add3A_378], %gather3A_405 : memref<131x128xf32, #tpu.memory_space<vmem>>[vector<16xi32>, vector<16xi32>], vector<16xf32>,
        %add3A_430 = vector.broadcast %mul3A_382 : i32 to vector<16xi32>
        %add3A_431 = arith.addi %add3A_430, %and3A_143 : vector<16xi32>
        %add3A_432 = vector.broadcast %mul3A_382 : i32 to vector<16xi32>
        %add3A_433 = arith.addi %add3A_432, %and3A_149 : vector<16xi32>
        %add3A_434 = vector.broadcast %mul3A_382 : i32 to vector<16xi32>
        %add3A_435 = arith.addi %add3A_434, %and3A_155 : vector<16xi32>
        %add3A_436 = vector.broadcast %mul3A_382 : i32 to vector<16xi32>
        %add3A_437 = arith.addi %add3A_436, %and3A_161 : vector<16xi32>
        %add3A_438 = vector.broadcast %mul3A_382 : i32 to vector<16xi32>
        %add3A_439 = arith.addi %add3A_438, %and3A_167 : vector<16xi32>
        %add3A_440 = vector.broadcast %mul3A_382 : i32 to vector<16xi32>
        %add3A_441 = arith.addi %add3A_440, %and3A_173 : vector<16xi32>
        %add3A_442 = vector.broadcast %mul3A_382 : i32 to vector<16xi32>
        %add3A_443 = arith.addi %add3A_442, %and3A_179 : vector<16xi32>
        %add3A_444 = vector.broadcast %mul3A_382 : i32 to vector<16xi32>
        %add3A_445 = arith.addi %add3A_444, %and3A_185 : vector<16xi32>
        %gather3A_446 = tpu.vector_load_idx %arg12[%add3A_378, %add3A_431] : memref<128x128xf32, #tpu.memory_space<vmem>>[vector<16xi32>, vector<16xi32>], vector<16xf32>,
        %gather3A_447 = tpu.vector_load_idx %arg12[%add3A_378, %add3A_433] : memref<128x128xf32, #tpu.memory_space<vmem>>[vector<16xi32>, vector<16xi32>], vector<16xf32>,
        %gather3A_448 = tpu.vector_load_idx %arg12[%add3A_378, %add3A_435] : memref<128x128xf32, #tpu.memory_space<vmem>>[vector<16xi32>, vector<16xi32>], vector<16xf32>,
        %gather3A_449 = tpu.vector_load_idx %arg12[%add3A_378, %add3A_437] : memref<128x128xf32, #tpu.memory_space<vmem>>[vector<16xi32>, vector<16xi32>], vector<16xf32>,
        %gather3A_450 = tpu.vector_load_idx %arg12[%add3A_378, %add3A_439] : memref<128x128xf32, #tpu.memory_space<vmem>>[vector<16xi32>, vector<16xi32>], vector<16xf32>,
        %gather3A_451 = tpu.vector_load_idx %arg12[%add3A_378, %add3A_441] : memref<128x128xf32, #tpu.memory_space<vmem>>[vector<16xi32>, vector<16xi32>], vector<16xf32>,
        %gather3A_452 = tpu.vector_load_idx %arg12[%add3A_378, %add3A_443] : memref<128x128xf32, #tpu.memory_space<vmem>>[vector<16xi32>, vector<16xi32>], vector<16xf32>,
        %gather3A_453 = tpu.vector_load_idx %arg12[%add3A_378, %add3A_445] : memref<128x128xf32, #tpu.memory_space<vmem>>[vector<16xi32>, vector<16xi32>], vector<16xf32>,
        %add3A_454 = arith.constant 3 : i32
        %add3A_455 = vector.broadcast %add3A_454 : i32 to vector<16xi32>
        %add3A_456 = arith.addi %add3A_431, %add3A_455 : vector<16xi32>
        tpu.vector_store_idx %arg14[%add3A_456, %add3A_378], %gather3A_446 : memref<131x128xf32, #tpu.memory_space<vmem>>[vector<16xi32>, vector<16xi32>], vector<16xf32>,
        %add3A_457 = arith.constant 3 : i32
        %add3A_458 = vector.broadcast %add3A_457 : i32 to vector<16xi32>
        %add3A_459 = arith.addi %add3A_433, %add3A_458 : vector<16xi32>
        tpu.vector_store_idx %arg14[%add3A_459, %add3A_378], %gather3A_447 : memref<131x128xf32, #tpu.memory_space<vmem>>[vector<16xi32>, vector<16xi32>], vector<16xf32>,
        %add3A_460 = arith.constant 3 : i32
        %add3A_461 = vector.broadcast %add3A_460 : i32 to vector<16xi32>
        %add3A_462 = arith.addi %add3A_435, %add3A_461 : vector<16xi32>
        tpu.vector_store_idx %arg14[%add3A_462, %add3A_378], %gather3A_448 : memref<131x128xf32, #tpu.memory_space<vmem>>[vector<16xi32>, vector<16xi32>], vector<16xf32>,
        %add3A_463 = arith.constant 3 : i32
        %add3A_464 = vector.broadcast %add3A_463 : i32 to vector<16xi32>
        %add3A_465 = arith.addi %add3A_437, %add3A_464 : vector<16xi32>
        tpu.vector_store_idx %arg14[%add3A_465, %add3A_378], %gather3A_449 : memref<131x128xf32, #tpu.memory_space<vmem>>[vector<16xi32>, vector<16xi32>], vector<16xf32>,
        %add3A_466 = arith.constant 3 : i32
        %add3A_467 = vector.broadcast %add3A_466 : i32 to vector<16xi32>
        %add3A_468 = arith.addi %add3A_439, %add3A_467 : vector<16xi32>
        tpu.vector_store_idx %arg14[%add3A_468, %add3A_378], %gather3A_450 : memref<131x128xf32, #tpu.memory_space<vmem>>[vector<16xi32>, vector<16xi32>], vector<16xf32>,
        %add3A_469 = arith.constant 3 : i32
        %add3A_470 = vector.broadcast %add3A_469 : i32 to vector<16xi32>
        %add3A_471 = arith.addi %add3A_441, %add3A_470 : vector<16xi32>
        tpu.vector_store_idx %arg14[%add3A_471, %add3A_378], %gather3A_451 : memref<131x128xf32, #tpu.memory_space<vmem>>[vector<16xi32>, vector<16xi32>], vector<16xf32>,
        %add3A_472 = arith.constant 3 : i32
        %add3A_473 = vector.broadcast %add3A_472 : i32 to vector<16xi32>
        %add3A_474 = arith.addi %add3A_443, %add3A_473 : vector<16xi32>
        tpu.vector_store_idx %arg14[%add3A_474, %add3A_378], %gather3A_452 : memref<131x128xf32, #tpu.memory_space<vmem>>[vector<16xi32>, vector<16xi32>], vector<16xf32>,
        %add3A_475 = arith.constant 3 : i32
        %add3A_476 = vector.broadcast %add3A_475 : i32 to vector<16xi32>
        %add3A_477 = arith.addi %add3A_445, %add3A_476 : vector<16xi32>
        tpu.vector_store_idx %arg14[%add3A_477, %add3A_378], %gather3A_453 : memref<131x128xf32, #tpu.memory_space<vmem>>[vector<16xi32>, vector<16xi32>], vector<16xf32>,
      }
      %scan3A_191 = arith.constant 64 : i32
      %sub3A_192 = arith.constant 1 : i32
      %sub3A_193 = arith.subi %add3A_4, %sub3A_192 : i32
      %min3A_194 = arith.minsi %mul3A_68, %sub3A_193 : i32
      %mul3A_195 = arith.constant 32 : i32
      %mul3A_196 = arith.muli %mul3A_195, %min3A_194 : i32
      %add3A_197 = arith.addi %add3A, %mul3A_196 : i32
      %mul3A_198 = arith.constant 128 : i32
      %mul3A_199 = arith.muli %add3A_197, %mul3A_198 : i32
      %dma_start3A_200 = arith.constant 0 : i32
      %dma_start3A_201 = tpu.memref_slice %arg6[%dma_start3A_200, %mul3A_199] : memref<131x320000xf32, #tpu.memory_space<hbm>> -> memref<131x128xf32, #tpu.memory_space<hbm>>
      %dma_start3A_202 = arith.constant 0 : i32
      %dma_start3A_203 = tpu.memref_slice %arg6[%dma_start3A_202, %mul3A_199] : memref<131x320000xf32, #tpu.memory_space<hbm>> -> memref<131x128xf32, #tpu.memory_space<hbm>>
      tpu.enqueue_dma source(%arg14 : memref<131x128xf32, #tpu.memory_space<vmem>>) target(%dma_start3A_203 : memref<131x128xf32, #tpu.memory_space<hbm>>) target_semaphore(%arg22 : memref<!tpu.dma_semaphore, #tpu.memory_space<semaphore_mem>>)
      %add3A_204 = arith.constant 2 : i32
      %add3A_205 = arith.addi %mul3A_68, %add3A_204 : i32
      %sub3A_206 = arith.constant 1 : i32
      %sub3A_207 = arith.subi %add3A_4, %sub3A_206 : i32
      %min3A_208 = arith.minsi %add3A_205, %sub3A_207 : i32
      %mul3A_209 = arith.constant 32 : i32
      %mul3A_210 = arith.muli %mul3A_209, %min3A_208 : i32
      %add3A_211 = arith.addi %add3A, %mul3A_210 : i32
      %mul3A_212 = arith.constant 128 : i32
      %mul3A_213 = arith.muli %add3A_211, %mul3A_212 : i32
      %dma_start3A_214 = tpu.memref_slice %arg4[%mul3A_213] : memref<320000xi32, #tpu.memory_space<hbm>> -> memref<128xi32, #tpu.memory_space<hbm>>
      %dma_start3A_215 = tpu.memref_slice %arg4[%mul3A_213] : memref<320000xi32, #tpu.memory_space<hbm>> -> memref<128xi32, #tpu.memory_space<hbm>>
      tpu.enqueue_dma source(%dma_start3A_215 : memref<128xi32, #tpu.memory_space<hbm>>) target(%arg8 : memref<128xi32, #tpu.memory_space<vmem>>) target_semaphore(%arg16 : memref<!tpu.dma_semaphore, #tpu.memory_space<semaphore_mem>>)
      %dma_start3A_216 = tpu.memref_slice %arg5[%mul3A_213] : memref<320000xi32, #tpu.memory_space<hbm>> -> memref<128xi32, #tpu.memory_space<hbm>>
      %dma_start3A_217 = tpu.memref_slice %arg5[%mul3A_213] : memref<320000xi32, #tpu.memory_space<hbm>> -> memref<128xi32, #tpu.memory_space<hbm>>
      tpu.enqueue_dma source(%dma_start3A_217 : memref<128xi32, #tpu.memory_space<hbm>>) target(%arg10 : memref<128xi32, #tpu.memory_space<vmem>>) target_semaphore(%arg18 : memref<!tpu.dma_semaphore, #tpu.memory_space<semaphore_mem>>)
      %add3A_218 = arith.constant 1 : i32
      %add3A_219 = arith.addi %mul3A_68, %add3A_218 : i32
      %dma_wait3A_220 = arith.constant 0 : i32
      %dma_wait3A_221 = arith.constant 0 : i32
      %dma_wait3A_222 = tpu.memref_slice %arg2[%dma_wait3A_220, %dma_wait3A_221] : memref<10000x128xf32, #tpu.memory_space<hbm>> -> memref<10000x128xf32, #tpu.memory_space<hbm>>
      tpu.wait_indirect_dma semaphore(%arg21 : memref<!tpu.dma_semaphore, #tpu.memory_space<semaphore_mem>>) src(%dma_wait3A_222 : memref<10000x128xf32, #tpu.memory_space<hbm>>) dst(%arg13 : memref<128x128xf32, #tpu.memory_space<vmem>>)
      %dma_wait3A_223 = arith.constant 0 : i32
      %dma_wait3A_224 = tpu.memref_slice %arg4[%dma_wait3A_223] : memref<320000xi32, #tpu.memory_space<hbm>> -> memref<128xi32, #tpu.memory_space<hbm>>
      %dma_wait3A_225 = arith.constant 0 : i32
      %dma_wait3A_226 = tpu.memref_slice %arg4[%dma_wait3A_225] : memref<320000xi32, #tpu.memory_space<hbm>> -> memref<128xi32, #tpu.memory_space<hbm>>
      tpu.wait_dma2 semaphore(%arg16 : memref<!tpu.dma_semaphore, #tpu.memory_space<semaphore_mem>>) src(%dma_wait3A_226 : memref<128xi32, #tpu.memory_space<hbm>>) dst(%arg8 : memref<128xi32, #tpu.memory_space<vmem>>)
      %dma_wait3A_227 = arith.constant 0 : i32
      %dma_wait3A_228 = tpu.memref_slice %arg5[%dma_wait3A_227] : memref<320000xi32, #tpu.memory_space<hbm>> -> memref<128xi32, #tpu.memory_space<hbm>>
      %dma_wait3A_229 = arith.constant 0 : i32
      %dma_wait3A_230 = tpu.memref_slice %arg5[%dma_wait3A_229] : memref<320000xi32, #tpu.memory_space<hbm>> -> memref<128xi32, #tpu.memory_space<hbm>>
      tpu.wait_dma2 semaphore(%arg18 : memref<!tpu.dma_semaphore, #tpu.memory_space<semaphore_mem>>) src(%dma_wait3A_230 : memref<128xi32, #tpu.memory_space<hbm>>) dst(%arg10 : memref<128xi32, #tpu.memory_space<vmem>>)
      %dma_start3A_231 = arith.constant 0 : i32
      %dma_start3A_232 = arith.constant 0 : i32
      %dma_start3A_233 = tpu.memref_slice %arg2[%dma_start3A_231, %dma_start3A_232] : memref<10000x128xf32, #tpu.memory_space<hbm>> -> memref<10000x128xf32, #tpu.memory_space<hbm>>
      tpu.enqueue_indirect_dma source(%dma_start3A_233 : memref<10000x128xf32, #tpu.memory_space<hbm>>) target(%arg12 : memref<128x128xf32, #tpu.memory_space<vmem>>) offsets(%arg8 : memref<128xi32, #tpu.memory_space<vmem>>) semaphore(%arg20 : memref<!tpu.dma_semaphore, #tpu.memory_space<semaphore_mem>>)
      %ge3A_234 = arith.constant 1 : i32
      %ge3A_235 = arith.cmpi sge, %scan3A_66, %ge3A_234 : i32
      %convert_element_type3A_236 = arith.extui %ge3A_235 : i1 to i32
      %cond3A_237 = arith.constant 0 : i32
      %cond3A_238 = arith.cmpi ne, %convert_element_type3A_236, %cond3A_237 : i32
      scf.if %cond3A_238 {
        %dma_wait3A_373 = arith.constant 0 : i32
        %dma_wait3A_374 = arith.constant 0 : i32
        %dma_wait3A_375 = tpu.memref_slice %arg6[%dma_wait3A_373, %dma_wait3A_374] : memref<131x320000xf32, #tpu.memory_space<hbm>> -> memref<131x128xf32, #tpu.memory_space<hbm>>
        %dma_wait3A_376 = arith.constant 0 : i32
        %dma_wait3A_377 = arith.constant 0 : i32
        %dma_wait3A_378 = tpu.memref_slice %arg6[%dma_wait3A_376, %dma_wait3A_377] : memref<131x320000xf32, #tpu.memory_space<hbm>> -> memref<131x128xf32, #tpu.memory_space<hbm>>
        tpu.wait_dma2 semaphore(%arg23 : memref<!tpu.dma_semaphore, #tpu.memory_space<semaphore_mem>>) src(%arg15 : memref<131x128xf32, #tpu.memory_space<vmem>>) dst(%dma_wait3A_378 : memref<131x128xf32, #tpu.memory_space<hbm>>)
      } else {
      }
      %scan3A_239 = arith.constant 0 : i32
      %scan3A_240 = arith.constant 0 : i32
      %scan3A_241 = arith.constant 8 : i32
      %scan3A_242 = arith.addi %scan3A_240, %scan3A_241 : i32
      %scan3A_243 = arith.constant 1 : i32
      scf.for %scan3A_373 = %scan3A_240 to %scan3A_242 step %scan3A_243  : i32 {
        %mul3A_374 = arith.constant 16 : i32
        %mul3A_375 = arith.muli %scan3A_373, %mul3A_374 : i32
        %get3A = arith.index_cast %mul3A_375 : i32 to index
        %get3A_376 = tpu.vector_load %arg9[%get3A] {strides = array<i32>} : memref<128xi32, #tpu.memory_space<vmem>>, vector<16xi32>,
        %mul3A_377 = arith.constant 16 : i32
        %mul3A_378 = arith.muli %scan3A_373, %mul3A_377 : i32
        %get3A_379 = arith.index_cast %mul3A_378 : i32 to index
        %get3A_380 = tpu.vector_load %arg11[%get3A_379] {strides = array<i32>} : memref<128xi32, #tpu.memory_space<vmem>>, vector<16xi32>,
        %mul3A_381 = arith.constant 16 : i32
        %mul3A_382 = arith.muli %scan3A_373, %mul3A_381 : i32
        %add3A_383 = vector.broadcast %mul3A_382 : i32 to vector<16xi32>
        %add3A_384 = arith.addi %iota3A, %add3A_383 : vector<16xi32>
        %broadcast_in_dim3A = arith.constant 0 : i32
        %broadcast_in_dim3A_385 = vector.broadcast %broadcast_in_dim3A : i32 to vector<16xi32>
        %mul3A_386 = arith.constant 3 : i32
        %mul3A_387 = vector.broadcast %mul3A_386 : i32 to vector<16xi32>
        %mul3A_388 = arith.muli %get3A_376, %mul3A_387 : vector<16xi32>
        %add3A_389 = arith.constant 0 : i32
        %add3A_390 = vector.broadcast %add3A_389 : i32 to vector<16xi32>
        %add3A_391 = arith.addi %mul3A_388, %add3A_390 : vector<16xi32>
        %gather3A = tpu.vector_load_idx %arg7[%add3A_391] : memref<30000xf32, #tpu.memory_space<vmem>>[vector<16xi32>], vector<16xf32>,
        %mul3A_392 = arith.constant 3 : i32
        %mul3A_393 = vector.broadcast %mul3A_392 : i32 to vector<16xi32>
        %mul3A_394 = arith.muli %get3A_380, %mul3A_393 : vector<16xi32>
        %add3A_395 = arith.constant 0 : i32
        %add3A_396 = vector.broadcast %add3A_395 : i32 to vector<16xi32>
        %add3A_397 = arith.addi %mul3A_394, %add3A_396 : vector<16xi32>
        %gather3A_398 = tpu.vector_load_idx %arg7[%add3A_397] : memref<30000xf32, #tpu.memory_space<vmem>>[vector<16xi32>], vector<16xf32>,
        %sub3A_399 = arith.subf %gather3A, %gather3A_398 : vector<16xf32>
        tpu.vector_store_idx %arg15[%broadcast_in_dim3A_385, %add3A_384], %sub3A_399 : memref<131x128xf32, #tpu.memory_space<vmem>>[vector<16xi32>, vector<16xi32>], vector<16xf32>,
        %broadcast_in_dim3A_400 = arith.constant 1 : i32
        %broadcast_in_dim3A_401 = vector.broadcast %broadcast_in_dim3A_400 : i32 to vector<16xi32>
        %mul3A_402 = arith.constant 3 : i32
        %mul3A_403 = vector.broadcast %mul3A_402 : i32 to vector<16xi32>
        %mul3A_404 = arith.muli %get3A_376, %mul3A_403 : vector<16xi32>
        %add3A_405 = arith.constant 1 : i32
        %add3A_406 = vector.broadcast %add3A_405 : i32 to vector<16xi32>
        %add3A_407 = arith.addi %mul3A_404, %add3A_406 : vector<16xi32>
        %gather3A_408 = tpu.vector_load_idx %arg7[%add3A_407] : memref<30000xf32, #tpu.memory_space<vmem>>[vector<16xi32>], vector<16xf32>,
        %mul3A_409 = arith.constant 3 : i32
        %mul3A_410 = vector.broadcast %mul3A_409 : i32 to vector<16xi32>
        %mul3A_411 = arith.muli %get3A_380, %mul3A_410 : vector<16xi32>
        %add3A_412 = arith.constant 1 : i32
        %add3A_413 = vector.broadcast %add3A_412 : i32 to vector<16xi32>
        %add3A_414 = arith.addi %mul3A_411, %add3A_413 : vector<16xi32>
        %gather3A_415 = tpu.vector_load_idx %arg7[%add3A_414] : memref<30000xf32, #tpu.memory_space<vmem>>[vector<16xi32>], vector<16xf32>,
        %sub3A_416 = arith.subf %gather3A_408, %gather3A_415 : vector<16xf32>
        tpu.vector_store_idx %arg15[%broadcast_in_dim3A_401, %add3A_384], %sub3A_416 : memref<131x128xf32, #tpu.memory_space<vmem>>[vector<16xi32>, vector<16xi32>], vector<16xf32>,
        %broadcast_in_dim3A_417 = arith.constant 2 : i32
        %broadcast_in_dim3A_418 = vector.broadcast %broadcast_in_dim3A_417 : i32 to vector<16xi32>
        %mul3A_419 = arith.constant 3 : i32
        %mul3A_420 = vector.broadcast %mul3A_419 : i32 to vector<16xi32>
        %mul3A_421 = arith.muli %get3A_376, %mul3A_420 : vector<16xi32>
        %add3A_422 = arith.constant 2 : i32
        %add3A_423 = vector.broadcast %add3A_422 : i32 to vector<16xi32>
        %add3A_424 = arith.addi %mul3A_421, %add3A_423 : vector<16xi32>
        %gather3A_425 = tpu.vector_load_idx %arg7[%add3A_424] : memref<30000xf32, #tpu.memory_space<vmem>>[vector<16xi32>], vector<16xf32>,
        %mul3A_426 = arith.constant 3 : i32
        %mul3A_427 = vector.broadcast %mul3A_426 : i32 to vector<16xi32>
        %mul3A_428 = arith.muli %get3A_380, %mul3A_427 : vector<16xi32>
        %add3A_429 = arith.constant 2 : i32
        %add3A_430 = vector.broadcast %add3A_429 : i32 to vector<16xi32>
        %add3A_431 = arith.addi %mul3A_428, %add3A_430 : vector<16xi32>
        %gather3A_432 = tpu.vector_load_idx %arg7[%add3A_431] : memref<30000xf32, #tpu.memory_space<vmem>>[vector<16xi32>], vector<16xf32>,
        %sub3A_433 = arith.subf %gather3A_425, %gather3A_432 : vector<16xf32>
        tpu.vector_store_idx %arg15[%broadcast_in_dim3A_418, %add3A_384], %sub3A_433 : memref<131x128xf32, #tpu.memory_space<vmem>>[vector<16xi32>, vector<16xi32>], vector<16xf32>,
      }
      %scan3A_244 = arith.constant 8 : i32
      %add3A_245 = arith.constant 0 : i32
      %add3A_246 = vector.broadcast %add3A_245 : i32 to vector<16xi32>
      %add3A_247 = arith.addi %iota3A, %add3A_246 : vector<16xi32>
      %and3A_248 = arith.constant 15 : i32
      %and3A_249 = vector.broadcast %and3A_248 : i32 to vector<16xi32>
      %and3A_250 = arith.andi %add3A_247, %and3A_249 : vector<16xi32>
      %add3A_251 = arith.constant 1 : i32
      %add3A_252 = vector.broadcast %add3A_251 : i32 to vector<16xi32>
      %add3A_253 = arith.addi %iota3A, %add3A_252 : vector<16xi32>
      %and3A_254 = arith.constant 15 : i32
      %and3A_255 = vector.broadcast %and3A_254 : i32 to vector<16xi32>
      %and3A_256 = arith.andi %add3A_253, %and3A_255 : vector<16xi32>
      %add3A_257 = arith.constant 2 : i32
      %add3A_258 = vector.broadcast %add3A_257 : i32 to vector<16xi32>
      %add3A_259 = arith.addi %iota3A, %add3A_258 : vector<16xi32>
      %and3A_260 = arith.constant 15 : i32
      %and3A_261 = vector.broadcast %and3A_260 : i32 to vector<16xi32>
      %and3A_262 = arith.andi %add3A_259, %and3A_261 : vector<16xi32>
      %add3A_263 = arith.constant 3 : i32
      %add3A_264 = vector.broadcast %add3A_263 : i32 to vector<16xi32>
      %add3A_265 = arith.addi %iota3A, %add3A_264 : vector<16xi32>
      %and3A_266 = arith.constant 15 : i32
      %and3A_267 = vector.broadcast %and3A_266 : i32 to vector<16xi32>
      %and3A_268 = arith.andi %add3A_265, %and3A_267 : vector<16xi32>
      %add3A_269 = arith.constant 4 : i32
      %add3A_270 = vector.broadcast %add3A_269 : i32 to vector<16xi32>
      %add3A_271 = arith.addi %iota3A, %add3A_270 : vector<16xi32>
      %and3A_272 = arith.constant 15 : i32
      %and3A_273 = vector.broadcast %and3A_272 : i32 to vector<16xi32>
      %and3A_274 = arith.andi %add3A_271, %and3A_273 : vector<16xi32>
      %add3A_275 = arith.constant 5 : i32
      %add3A_276 = vector.broadcast %add3A_275 : i32 to vector<16xi32>
      %add3A_277 = arith.addi %iota3A, %add3A_276 : vector<16xi32>
      %and3A_278 = arith.constant 15 : i32
      %and3A_279 = vector.broadcast %and3A_278 : i32 to vector<16xi32>
      %and3A_280 = arith.andi %add3A_277, %and3A_279 : vector<16xi32>
      %add3A_281 = arith.constant 6 : i32
      %add3A_282 = vector.broadcast %add3A_281 : i32 to vector<16xi32>
      %add3A_283 = arith.addi %iota3A, %add3A_282 : vector<16xi32>
      %and3A_284 = arith.constant 15 : i32
      %and3A_285 = vector.broadcast %and3A_284 : i32 to vector<16xi32>
      %and3A_286 = arith.andi %add3A_283, %and3A_285 : vector<16xi32>
      %add3A_287 = arith.constant 7 : i32
      %add3A_288 = vector.broadcast %add3A_287 : i32 to vector<16xi32>
      %add3A_289 = arith.addi %iota3A, %add3A_288 : vector<16xi32>
      %and3A_290 = arith.constant 15 : i32
      %and3A_291 = vector.broadcast %and3A_290 : i32 to vector<16xi32>
      %and3A_292 = arith.andi %add3A_289, %and3A_291 : vector<16xi32>
      %add3A_293 = arith.constant 8 : i32
      %add3A_294 = vector.broadcast %add3A_293 : i32 to vector<16xi32>
      %add3A_295 = arith.addi %iota3A, %add3A_294 : vector<16xi32>
      %and3A_296 = arith.constant 15 : i32
      %and3A_297 = vector.broadcast %and3A_296 : i32 to vector<16xi32>
      %and3A_298 = arith.andi %add3A_295, %and3A_297 : vector<16xi32>
      %add3A_299 = arith.constant 9 : i32
      %add3A_300 = vector.broadcast %add3A_299 : i32 to vector<16xi32>
      %add3A_301 = arith.addi %iota3A, %add3A_300 : vector<16xi32>
      %and3A_302 = arith.constant 15 : i32
      %and3A_303 = vector.broadcast %and3A_302 : i32 to vector<16xi32>
      %and3A_304 = arith.andi %add3A_301, %and3A_303 : vector<16xi32>
      %add3A_305 = arith.constant 10 : i32
      %add3A_306 = vector.broadcast %add3A_305 : i32 to vector<16xi32>
      %add3A_307 = arith.addi %iota3A, %add3A_306 : vector<16xi32>
      %and3A_308 = arith.constant 15 : i32
      %and3A_309 = vector.broadcast %and3A_308 : i32 to vector<16xi32>
      %and3A_310 = arith.andi %add3A_307, %and3A_309 : vector<16xi32>
      %add3A_311 = arith.constant 11 : i32
      %add3A_312 = vector.broadcast %add3A_311 : i32 to vector<16xi32>
      %add3A_313 = arith.addi %iota3A, %add3A_312 : vector<16xi32>
      %and3A_314 = arith.constant 15 : i32
      %and3A_315 = vector.broadcast %and3A_314 : i32 to vector<16xi32>
      %and3A_316 = arith.andi %add3A_313, %and3A_315 : vector<16xi32>
      %add3A_317 = arith.constant 12 : i32
      %add3A_318 = vector.broadcast %add3A_317 : i32 to vector<16xi32>
      %add3A_319 = arith.addi %iota3A, %add3A_318 : vector<16xi32>
      %and3A_320 = arith.constant 15 : i32
      %and3A_321 = vector.broadcast %and3A_320 : i32 to vector<16xi32>
      %and3A_322 = arith.andi %add3A_319, %and3A_321 : vector<16xi32>
      %add3A_323 = arith.constant 13 : i32
      %add3A_324 = vector.broadcast %add3A_323 : i32 to vector<16xi32>
      %add3A_325 = arith.addi %iota3A, %add3A_324 : vector<16xi32>
      %and3A_326 = arith.constant 15 : i32
      %and3A_327 = vector.broadcast %and3A_326 : i32 to vector<16xi32>
      %and3A_328 = arith.andi %add3A_325, %and3A_327 : vector<16xi32>
      %add3A_329 = arith.constant 14 : i32
      %add3A_330 = vector.broadcast %add3A_329 : i32 to vector<16xi32>
      %add3A_331 = arith.addi %iota3A, %add3A_330 : vector<16xi32>
      %and3A_332 = arith.constant 15 : i32
      %and3A_333 = vector.broadcast %and3A_332 : i32 to vector<16xi32>
      %and3A_334 = arith.andi %add3A_331, %and3A_333 : vector<16xi32>
      %add3A_335 = arith.constant 15 : i32
      %add3A_336 = vector.broadcast %add3A_335 : i32 to vector<16xi32>
      %add3A_337 = arith.addi %iota3A, %add3A_336 : vector<16xi32>
      %and3A_338 = arith.constant 15 : i32
      %and3A_339 = vector.broadcast %and3A_338 : i32 to vector<16xi32>
      %and3A_340 = arith.andi %add3A_337, %and3A_339 : vector<16xi32>
      %scan3A_341 = arith.constant 0 : i32
      %scan3A_342 = arith.constant 0 : i32
      %scan3A_343 = arith.constant 64 : i32
      %scan3A_344 = arith.addi %scan3A_342, %scan3A_343 : i32
      %scan3A_345 = arith.constant 1 : i32
      scf.for %scan3A_373 = %scan3A_342 to %scan3A_344 step %scan3A_345  : i32 {
        %shift_right_arithmetic3A = arith.constant 3 : i32
        %shift_right_arithmetic3A_374 = arith.shrsi %scan3A_373, %shift_right_arithmetic3A : i32
        %mul3A_375 = arith.constant 16 : i32
        %mul3A_376 = arith.muli %shift_right_arithmetic3A_374, %mul3A_375 : i32
        %add3A_377 = vector.broadcast %mul3A_376 : i32 to vector<16xi32>
        %add3A_378 = arith.addi %add3A_377, %iota3A : vector<16xi32>
        %and3A_379 = arith.constant 7 : i32
        %and3A_380 = arith.andi %scan3A_373, %and3A_379 : i32
        %mul3A_381 = arith.constant 16 : i32
        %mul3A_382 = arith.muli %and3A_380, %mul3A_381 : i32
        %add3A_383 = vector.broadcast %mul3A_382 : i32 to vector<16xi32>
        %add3A_384 = arith.addi %add3A_383, %and3A_250 : vector<16xi32>
        %add3A_385 = vector.broadcast %mul3A_382 : i32 to vector<16xi32>
        %add3A_386 = arith.addi %add3A_385, %and3A_256 : vector<16xi32>
        %add3A_387 = vector.broadcast %mul3A_382 : i32 to vector<16xi32>
        %add3A_388 = arith.addi %add3A_387, %and3A_262 : vector<16xi32>
        %add3A_389 = vector.broadcast %mul3A_382 : i32 to vector<16xi32>
        %add3A_390 = arith.addi %add3A_389, %and3A_268 : vector<16xi32>
        %add3A_391 = vector.broadcast %mul3A_382 : i32 to vector<16xi32>
        %add3A_392 = arith.addi %add3A_391, %and3A_274 : vector<16xi32>
        %add3A_393 = vector.broadcast %mul3A_382 : i32 to vector<16xi32>
        %add3A_394 = arith.addi %add3A_393, %and3A_280 : vector<16xi32>
        %add3A_395 = vector.broadcast %mul3A_382 : i32 to vector<16xi32>
        %add3A_396 = arith.addi %add3A_395, %and3A_286 : vector<16xi32>
        %add3A_397 = vector.broadcast %mul3A_382 : i32 to vector<16xi32>
        %add3A_398 = arith.addi %add3A_397, %and3A_292 : vector<16xi32>
        %gather3A = tpu.vector_load_idx %arg13[%add3A_378, %add3A_384] : memref<128x128xf32, #tpu.memory_space<vmem>>[vector<16xi32>, vector<16xi32>], vector<16xf32>,
        %gather3A_399 = tpu.vector_load_idx %arg13[%add3A_378, %add3A_386] : memref<128x128xf32, #tpu.memory_space<vmem>>[vector<16xi32>, vector<16xi32>], vector<16xf32>,
        %gather3A_400 = tpu.vector_load_idx %arg13[%add3A_378, %add3A_388] : memref<128x128xf32, #tpu.memory_space<vmem>>[vector<16xi32>, vector<16xi32>], vector<16xf32>,
        %gather3A_401 = tpu.vector_load_idx %arg13[%add3A_378, %add3A_390] : memref<128x128xf32, #tpu.memory_space<vmem>>[vector<16xi32>, vector<16xi32>], vector<16xf32>,
        %gather3A_402 = tpu.vector_load_idx %arg13[%add3A_378, %add3A_392] : memref<128x128xf32, #tpu.memory_space<vmem>>[vector<16xi32>, vector<16xi32>], vector<16xf32>,
        %gather3A_403 = tpu.vector_load_idx %arg13[%add3A_378, %add3A_394] : memref<128x128xf32, #tpu.memory_space<vmem>>[vector<16xi32>, vector<16xi32>], vector<16xf32>,
        %gather3A_404 = tpu.vector_load_idx %arg13[%add3A_378, %add3A_396] : memref<128x128xf32, #tpu.memory_space<vmem>>[vector<16xi32>, vector<16xi32>], vector<16xf32>,
        %gather3A_405 = tpu.vector_load_idx %arg13[%add3A_378, %add3A_398] : memref<128x128xf32, #tpu.memory_space<vmem>>[vector<16xi32>, vector<16xi32>], vector<16xf32>,
        %add3A_406 = arith.constant 3 : i32
        %add3A_407 = vector.broadcast %add3A_406 : i32 to vector<16xi32>
        %add3A_408 = arith.addi %add3A_384, %add3A_407 : vector<16xi32>
        tpu.vector_store_idx %arg15[%add3A_408, %add3A_378], %gather3A : memref<131x128xf32, #tpu.memory_space<vmem>>[vector<16xi32>, vector<16xi32>], vector<16xf32>,
        %add3A_409 = arith.constant 3 : i32
        %add3A_410 = vector.broadcast %add3A_409 : i32 to vector<16xi32>
        %add3A_411 = arith.addi %add3A_386, %add3A_410 : vector<16xi32>
        tpu.vector_store_idx %arg15[%add3A_411, %add3A_378], %gather3A_399 : memref<131x128xf32, #tpu.memory_space<vmem>>[vector<16xi32>, vector<16xi32>], vector<16xf32>,
        %add3A_412 = arith.constant 3 : i32
        %add3A_413 = vector.broadcast %add3A_412 : i32 to vector<16xi32>
        %add3A_414 = arith.addi %add3A_388, %add3A_413 : vector<16xi32>
        tpu.vector_store_idx %arg15[%add3A_414, %add3A_378], %gather3A_400 : memref<131x128xf32, #tpu.memory_space<vmem>>[vector<16xi32>, vector<16xi32>], vector<16xf32>,
        %add3A_415 = arith.constant 3 : i32
        %add3A_416 = vector.broadcast %add3A_415 : i32 to vector<16xi32>
        %add3A_417 = arith.addi %add3A_390, %add3A_416 : vector<16xi32>
        tpu.vector_store_idx %arg15[%add3A_417, %add3A_378], %gather3A_401 : memref<131x128xf32, #tpu.memory_space<vmem>>[vector<16xi32>, vector<16xi32>], vector<16xf32>,
        %add3A_418 = arith.constant 3 : i32
        %add3A_419 = vector.broadcast %add3A_418 : i32 to vector<16xi32>
        %add3A_420 = arith.addi %add3A_392, %add3A_419 : vector<16xi32>
        tpu.vector_store_idx %arg15[%add3A_420, %add3A_378], %gather3A_402 : memref<131x128xf32, #tpu.memory_space<vmem>>[vector<16xi32>, vector<16xi32>], vector<16xf32>,
        %add3A_421 = arith.constant 3 : i32
        %add3A_422 = vector.broadcast %add3A_421 : i32 to vector<16xi32>
        %add3A_423 = arith.addi %add3A_394, %add3A_422 : vector<16xi32>
        tpu.vector_store_idx %arg15[%add3A_423, %add3A_378], %gather3A_403 : memref<131x128xf32, #tpu.memory_space<vmem>>[vector<16xi32>, vector<16xi32>], vector<16xf32>,
        %add3A_424 = arith.constant 3 : i32
        %add3A_425 = vector.broadcast %add3A_424 : i32 to vector<16xi32>
        %add3A_426 = arith.addi %add3A_396, %add3A_425 : vector<16xi32>
        tpu.vector_store_idx %arg15[%add3A_426, %add3A_378], %gather3A_404 : memref<131x128xf32, #tpu.memory_space<vmem>>[vector<16xi32>, vector<16xi32>], vector<16xf32>,
        %add3A_427 = arith.constant 3 : i32
        %add3A_428 = vector.broadcast %add3A_427 : i32 to vector<16xi32>
        %add3A_429 = arith.addi %add3A_398, %add3A_428 : vector<16xi32>
        tpu.vector_store_idx %arg15[%add3A_429, %add3A_378], %gather3A_405 : memref<131x128xf32, #tpu.memory_space<vmem>>[vector<16xi32>, vector<16xi32>], vector<16xf32>,
        %add3A_430 = vector.broadcast %mul3A_382 : i32 to vector<16xi32>
        %add3A_431 = arith.addi %add3A_430, %and3A_298 : vector<16xi32>
        %add3A_432 = vector.broadcast %mul3A_382 : i32 to vector<16xi32>
        %add3A_433 = arith.addi %add3A_432, %and3A_304 : vector<16xi32>
        %add3A_434 = vector.broadcast %mul3A_382 : i32 to vector<16xi32>
        %add3A_435 = arith.addi %add3A_434, %and3A_310 : vector<16xi32>
        %add3A_436 = vector.broadcast %mul3A_382 : i32 to vector<16xi32>
        %add3A_437 = arith.addi %add3A_436, %and3A_316 : vector<16xi32>
        %add3A_438 = vector.broadcast %mul3A_382 : i32 to vector<16xi32>
        %add3A_439 = arith.addi %add3A_438, %and3A_322 : vector<16xi32>
        %add3A_440 = vector.broadcast %mul3A_382 : i32 to vector<16xi32>
        %add3A_441 = arith.addi %add3A_440, %and3A_328 : vector<16xi32>
        %add3A_442 = vector.broadcast %mul3A_382 : i32 to vector<16xi32>
        %add3A_443 = arith.addi %add3A_442, %and3A_334 : vector<16xi32>
        %add3A_444 = vector.broadcast %mul3A_382 : i32 to vector<16xi32>
        %add3A_445 = arith.addi %add3A_444, %and3A_340 : vector<16xi32>
        %gather3A_446 = tpu.vector_load_idx %arg13[%add3A_378, %add3A_431] : memref<128x128xf32, #tpu.memory_space<vmem>>[vector<16xi32>, vector<16xi32>], vector<16xf32>,
        %gather3A_447 = tpu.vector_load_idx %arg13[%add3A_378, %add3A_433] : memref<128x128xf32, #tpu.memory_space<vmem>>[vector<16xi32>, vector<16xi32>], vector<16xf32>,
        %gather3A_448 = tpu.vector_load_idx %arg13[%add3A_378, %add3A_435] : memref<128x128xf32, #tpu.memory_space<vmem>>[vector<16xi32>, vector<16xi32>], vector<16xf32>,
        %gather3A_449 = tpu.vector_load_idx %arg13[%add3A_378, %add3A_437] : memref<128x128xf32, #tpu.memory_space<vmem>>[vector<16xi32>, vector<16xi32>], vector<16xf32>,
        %gather3A_450 = tpu.vector_load_idx %arg13[%add3A_378, %add3A_439] : memref<128x128xf32, #tpu.memory_space<vmem>>[vector<16xi32>, vector<16xi32>], vector<16xf32>,
        %gather3A_451 = tpu.vector_load_idx %arg13[%add3A_378, %add3A_441] : memref<128x128xf32, #tpu.memory_space<vmem>>[vector<16xi32>, vector<16xi32>], vector<16xf32>,
        %gather3A_452 = tpu.vector_load_idx %arg13[%add3A_378, %add3A_443] : memref<128x128xf32, #tpu.memory_space<vmem>>[vector<16xi32>, vector<16xi32>], vector<16xf32>,
        %gather3A_453 = tpu.vector_load_idx %arg13[%add3A_378, %add3A_445] : memref<128x128xf32, #tpu.memory_space<vmem>>[vector<16xi32>, vector<16xi32>], vector<16xf32>,
        %add3A_454 = arith.constant 3 : i32
        %add3A_455 = vector.broadcast %add3A_454 : i32 to vector<16xi32>
        %add3A_456 = arith.addi %add3A_431, %add3A_455 : vector<16xi32>
        tpu.vector_store_idx %arg15[%add3A_456, %add3A_378], %gather3A_446 : memref<131x128xf32, #tpu.memory_space<vmem>>[vector<16xi32>, vector<16xi32>], vector<16xf32>,
        %add3A_457 = arith.constant 3 : i32
        %add3A_458 = vector.broadcast %add3A_457 : i32 to vector<16xi32>
        %add3A_459 = arith.addi %add3A_433, %add3A_458 : vector<16xi32>
        tpu.vector_store_idx %arg15[%add3A_459, %add3A_378], %gather3A_447 : memref<131x128xf32, #tpu.memory_space<vmem>>[vector<16xi32>, vector<16xi32>], vector<16xf32>,
        %add3A_460 = arith.constant 3 : i32
        %add3A_461 = vector.broadcast %add3A_460 : i32 to vector<16xi32>
        %add3A_462 = arith.addi %add3A_435, %add3A_461 : vector<16xi32>
        tpu.vector_store_idx %arg15[%add3A_462, %add3A_378], %gather3A_448 : memref<131x128xf32, #tpu.memory_space<vmem>>[vector<16xi32>, vector<16xi32>], vector<16xf32>,
        %add3A_463 = arith.constant 3 : i32
        %add3A_464 = vector.broadcast %add3A_463 : i32 to vector<16xi32>
        %add3A_465 = arith.addi %add3A_437, %add3A_464 : vector<16xi32>
        tpu.vector_store_idx %arg15[%add3A_465, %add3A_378], %gather3A_449 : memref<131x128xf32, #tpu.memory_space<vmem>>[vector<16xi32>, vector<16xi32>], vector<16xf32>,
        %add3A_466 = arith.constant 3 : i32
        %add3A_467 = vector.broadcast %add3A_466 : i32 to vector<16xi32>
        %add3A_468 = arith.addi %add3A_439, %add3A_467 : vector<16xi32>
        tpu.vector_store_idx %arg15[%add3A_468, %add3A_378], %gather3A_450 : memref<131x128xf32, #tpu.memory_space<vmem>>[vector<16xi32>, vector<16xi32>], vector<16xf32>,
        %add3A_469 = arith.constant 3 : i32
        %add3A_470 = vector.broadcast %add3A_469 : i32 to vector<16xi32>
        %add3A_471 = arith.addi %add3A_441, %add3A_470 : vector<16xi32>
        tpu.vector_store_idx %arg15[%add3A_471, %add3A_378], %gather3A_451 : memref<131x128xf32, #tpu.memory_space<vmem>>[vector<16xi32>, vector<16xi32>], vector<16xf32>,
        %add3A_472 = arith.constant 3 : i32
        %add3A_473 = vector.broadcast %add3A_472 : i32 to vector<16xi32>
        %add3A_474 = arith.addi %add3A_443, %add3A_473 : vector<16xi32>
        tpu.vector_store_idx %arg15[%add3A_474, %add3A_378], %gather3A_452 : memref<131x128xf32, #tpu.memory_space<vmem>>[vector<16xi32>, vector<16xi32>], vector<16xf32>,
        %add3A_475 = arith.constant 3 : i32
        %add3A_476 = vector.broadcast %add3A_475 : i32 to vector<16xi32>
        %add3A_477 = arith.addi %add3A_445, %add3A_476 : vector<16xi32>
        tpu.vector_store_idx %arg15[%add3A_477, %add3A_378], %gather3A_453 : memref<131x128xf32, #tpu.memory_space<vmem>>[vector<16xi32>, vector<16xi32>], vector<16xf32>,
      }
      %scan3A_346 = arith.constant 64 : i32
      %sub3A_347 = arith.constant 1 : i32
      %sub3A_348 = arith.subi %add3A_4, %sub3A_347 : i32
      %min3A_349 = arith.minsi %add3A_219, %sub3A_348 : i32
      %mul3A_350 = arith.constant 32 : i32
      %mul3A_351 = arith.muli %mul3A_350, %min3A_349 : i32
      %add3A_352 = arith.addi %add3A, %mul3A_351 : i32
      %mul3A_353 = arith.constant 128 : i32
      %mul3A_354 = arith.muli %add3A_352, %mul3A_353 : i32
      %dma_start3A_355 = arith.constant 0 : i32
      %dma_start3A_356 = tpu.memref_slice %arg6[%dma_start3A_355, %mul3A_354] : memref<131x320000xf32, #tpu.memory_space<hbm>> -> memref<131x128xf32, #tpu.memory_space<hbm>>
      %dma_start3A_357 = arith.constant 0 : i32
      %dma_start3A_358 = tpu.memref_slice %arg6[%dma_start3A_357, %mul3A_354] : memref<131x320000xf32, #tpu.memory_space<hbm>> -> memref<131x128xf32, #tpu.memory_space<hbm>>
      tpu.enqueue_dma source(%arg15 : memref<131x128xf32, #tpu.memory_space<vmem>>) target(%dma_start3A_358 : memref<131x128xf32, #tpu.memory_space<hbm>>) target_semaphore(%arg23 : memref<!tpu.dma_semaphore, #tpu.memory_space<semaphore_mem>>)
      %add3A_359 = arith.constant 2 : i32
      %add3A_360 = arith.addi %add3A_219, %add3A_359 : i32
      %sub3A_361 = arith.constant 1 : i32
      %sub3A_362 = arith.subi %add3A_4, %sub3A_361 : i32
      %min3A_363 = arith.minsi %add3A_360, %sub3A_362 : i32
      %mul3A_364 = arith.constant 32 : i32
      %mul3A_365 = arith.muli %mul3A_364, %min3A_363 : i32
      %add3A_366 = arith.addi %add3A, %mul3A_365 : i32
      %mul3A_367 = arith.constant 128 : i32
      %mul3A_368 = arith.muli %add3A_366, %mul3A_367 : i32
      %dma_start3A_369 = tpu.memref_slice %arg4[%mul3A_368] : memref<320000xi32, #tpu.memory_space<hbm>> -> memref<128xi32, #tpu.memory_space<hbm>>
      %dma_start3A_370 = tpu.memref_slice %arg4[%mul3A_368] : memref<320000xi32, #tpu.memory_space<hbm>> -> memref<128xi32, #tpu.memory_space<hbm>>
      tpu.enqueue_dma source(%dma_start3A_370 : memref<128xi32, #tpu.memory_space<hbm>>) target(%arg9 : memref<128xi32, #tpu.memory_space<vmem>>) target_semaphore(%arg17 : memref<!tpu.dma_semaphore, #tpu.memory_space<semaphore_mem>>)
      %dma_start3A_371 = tpu.memref_slice %arg5[%mul3A_368] : memref<320000xi32, #tpu.memory_space<hbm>> -> memref<128xi32, #tpu.memory_space<hbm>>
      %dma_start3A_372 = tpu.memref_slice %arg5[%mul3A_368] : memref<320000xi32, #tpu.memory_space<hbm>> -> memref<128xi32, #tpu.memory_space<hbm>>
      tpu.enqueue_dma source(%dma_start3A_372 : memref<128xi32, #tpu.memory_space<hbm>>) target(%arg11 : memref<128xi32, #tpu.memory_space<vmem>>) target_semaphore(%arg19 : memref<!tpu.dma_semaphore, #tpu.memory_space<semaphore_mem>>)
    }
    %scan3A_42 = arith.constant 40 : i32
    %dma_wait3A_43 = arith.constant 0 : i32
    %dma_wait3A_44 = arith.constant 0 : i32
    %dma_wait3A_45 = tpu.memref_slice %arg2[%dma_wait3A_43, %dma_wait3A_44] : memref<10000x128xf32, #tpu.memory_space<hbm>> -> memref<10000x128xf32, #tpu.memory_space<hbm>>
    tpu.wait_indirect_dma semaphore(%arg20 : memref<!tpu.dma_semaphore, #tpu.memory_space<semaphore_mem>>) src(%dma_wait3A_45 : memref<10000x128xf32, #tpu.memory_space<hbm>>) dst(%arg12 : memref<128x128xf32, #tpu.memory_space<vmem>>)
    %dma_wait3A_46 = arith.constant 0 : i32
    %dma_wait3A_47 = tpu.memref_slice %arg4[%dma_wait3A_46] : memref<320000xi32, #tpu.memory_space<hbm>> -> memref<128xi32, #tpu.memory_space<hbm>>
    %dma_wait3A_48 = arith.constant 0 : i32
    %dma_wait3A_49 = tpu.memref_slice %arg4[%dma_wait3A_48] : memref<320000xi32, #tpu.memory_space<hbm>> -> memref<128xi32, #tpu.memory_space<hbm>>
    tpu.wait_dma2 semaphore(%arg17 : memref<!tpu.dma_semaphore, #tpu.memory_space<semaphore_mem>>) src(%dma_wait3A_49 : memref<128xi32, #tpu.memory_space<hbm>>) dst(%arg9 : memref<128xi32, #tpu.memory_space<vmem>>)
    %dma_wait3A_50 = arith.constant 0 : i32
    %dma_wait3A_51 = tpu.memref_slice %arg5[%dma_wait3A_50] : memref<320000xi32, #tpu.memory_space<hbm>> -> memref<128xi32, #tpu.memory_space<hbm>>
    %dma_wait3A_52 = arith.constant 0 : i32
    %dma_wait3A_53 = tpu.memref_slice %arg5[%dma_wait3A_52] : memref<320000xi32, #tpu.memory_space<hbm>> -> memref<128xi32, #tpu.memory_space<hbm>>
    tpu.wait_dma2 semaphore(%arg19 : memref<!tpu.dma_semaphore, #tpu.memory_space<semaphore_mem>>) src(%dma_wait3A_53 : memref<128xi32, #tpu.memory_space<hbm>>) dst(%arg11 : memref<128xi32, #tpu.memory_space<vmem>>)
    %dma_wait3A_54 = arith.constant 0 : i32
    %dma_wait3A_55 = arith.constant 0 : i32
    %dma_wait3A_56 = tpu.memref_slice %arg6[%dma_wait3A_54, %dma_wait3A_55] : memref<131x320000xf32, #tpu.memory_space<hbm>> -> memref<131x128xf32, #tpu.memory_space<hbm>>
    %dma_wait3A_57 = arith.constant 0 : i32
    %dma_wait3A_58 = arith.constant 0 : i32
    %dma_wait3A_59 = tpu.memref_slice %arg6[%dma_wait3A_57, %dma_wait3A_58] : memref<131x320000xf32, #tpu.memory_space<hbm>> -> memref<131x128xf32, #tpu.memory_space<hbm>>
    tpu.wait_dma2 semaphore(%arg22 : memref<!tpu.dma_semaphore, #tpu.memory_space<semaphore_mem>>) src(%arg14 : memref<131x128xf32, #tpu.memory_space<vmem>>) dst(%dma_wait3A_59 : memref<131x128xf32, #tpu.memory_space<hbm>>)
    %dma_wait3A_60 = arith.constant 0 : i32
    %dma_wait3A_61 = arith.constant 0 : i32
    %dma_wait3A_62 = tpu.memref_slice %arg6[%dma_wait3A_60, %dma_wait3A_61] : memref<131x320000xf32, #tpu.memory_space<hbm>> -> memref<131x128xf32, #tpu.memory_space<hbm>>
    %dma_wait3A_63 = arith.constant 0 : i32
    %dma_wait3A_64 = arith.constant 0 : i32
    %dma_wait3A_65 = tpu.memref_slice %arg6[%dma_wait3A_63, %dma_wait3A_64] : memref<131x320000xf32, #tpu.memory_space<hbm>> -> memref<131x128xf32, #tpu.memory_space<hbm>>
    tpu.wait_dma2 semaphore(%arg23 : memref<!tpu.dma_semaphore, #tpu.memory_space<semaphore_mem>>) src(%arg15 : memref<131x128xf32, #tpu.memory_space<vmem>>) dst(%dma_wait3A_65 : memref<131x128xf32, #tpu.memory_space<hbm>>)
    return
  }
}

</mosaic_0001>

<sc_bundles>
// kernel: kernel.3.cloned.1.call-start
scs
__scs_entry_jumppad:
0x0: {  	(pc) =	sbr.rel $0x88, $3  }
0x1: {  	(tag) =	ssettag $0x0;
	lr =	simm.s32 $0x1  }
0x2: {  	[smem:$0x3F9E] =	sst lr;
	_ =	strace $0xD0000000  }
0x3: {  	_ = 	snop  }
0x4: {  	_ = 	snop  }
0x5: {  	_ = 	snop  }
0x6: {  	_ = 	snop  }
0x7: {  	_ = 	snop  }
__scs_overlays_trampoline_lowered:
0x8: {  	[smem:$0x3FAD] =	sst s0  }
0x9: {  	[smem:$0x3FAE] =	sst s1  }
0xa: {  	[smem:$0x3FAF] =	sst s2  }
0xb: {  	[smem:$0x3FB0] =	sst s3  }
0xc: {  	[smem:$0x3FB1] =	sst s4  }
0xd: {  	[smem:$0x3FB2] =	sst s5  }
0xe: {  	[smem:$0x3FB3] =	sst s6  }
0xf: {  	[smem:$0x3FB4] =	sst s7  }
0x10: {  	[smem:$0x3FB5] =	sst s8  }
0x11: {  	[smem:$0x3FB6] =	sst s9;
	s0 =	simm.s32 @!p0 $0x0  }
0x12: {  	s1 =	sld [smem:$0x3F9C];
	s0 =	simm.s32 @p0 $0x1  }
0x13: {  	[smem:$0x3FB7] =	sst s0;
	s0 =	simm.s32 @!p1 $0x0  }
0x14: {  	s2 =	sld [smem:$0x3F9B];
	s0 =	simm.s32 @p1 $0x1  }
0x15: {  	[smem:$0x3FB8] =	sst s0;
	s0 =	simm.s32 @!p2 $0x0  }
0x16: {  	s3 =	sld [smem:$0x3FDB];
	s0 =	simm.s32 @p2 $0x1  }
0x17: {  	s4 =	simm.s32 $0x1BF5;
	[smem:$0x3FBA] =	sst s0  }
0x18: {  	s0 =	sld [smem:$0x3F9D];
	_ =	swait.ge [sflag:s4], $0x0  }
0x19: {  	s7 =	sld [smem:$0x3F9E]  }
0x1a: {  	s8 =	sadd.s32 $0xFFFFE003, lr  }
0x1b: {  	s9 =	sadd.s32 $0xFFFFFEF7, lr;
	s5 =	simm.s32 $0xFFFFFFFF;
	p2 =	slt.u32 s8, $0xFFFFF086  }
0x1c: {  	p1 =	slt.u32 s9, $0xF7A;
	s5 =	simm.s32 @!p2 $0x0  }
0x1d: {  	s5 =	simm.s32 @p1 $0x1;
	p0 =	seq.s32 s7, s2  }
0x1e: {  	s7 =	smul.u32 @!p0 $0xF7A, s2;
	p2 =	seq.s32 @!p0 s5, $0x0  }
0x1f: {  	s9 =	smul.u32 $0xF7A, s1;
	s8 =	simm.s32 @!p0 $0x1BF5;
	p2 =	por !p2, p0  }
0x20: {  	[sflag:s8] =	ssyncset.s32 @!p0 $0xFFFFF086;
	s6 =	sadd.s32 @!p0 s3, s7;
	s7 =	simm.s32 @!p0 $0x108  }
0x21: {  	s3 =	sadd.s32 s3, s9;
	s6 =	sadd.s32 @!p0 $0x88, s6;
	s7 =	simm.s32 @p2 $0x1082  }
0x22: {  	[simem:s7], [sflag:s8] =	dma.local @!p0 [hbm:s6], $0xF7A  }
0x23: {  	s9 =	sor.u32 $0xD0000000, s2;
	s6 =	simm.s32 $0x108;
	_ =	swait.ge @!p0 [sflag:s8], $0x0  }
0x24: {  	s3 =	sadd.s32 $0x88, s3;
	s6 =	simm.s32 @!p1 $0x1082;
	[sflag:s4] =	ssyncset.s32 $0xFFFFF086  }
0x25: {  	[simem:s6], [sflag:s4] =	dma.local [hbm:s3], $0xF7A  }
0x26: {  	[smem:$0x3F9E] =	sst s1;
	(tag) =	ssettag s2;
	_ =	strace s9  }
0x27: {  	s1 =	sld [smem:$0x3FAE]  }
0x28: {  	s2 =	sld [smem:$0x3FAF]  }
0x29: {  	s4 =	sld [smem:$0x3FB1]  }
0x2a: {  	p0 =	seq.s32 s5, $0x0;
	s5 =	sld [smem:$0x3FB2]  }
0x2b: {  	s6 =	sld [smem:$0x3FB3]  }
0x2c: {  	s7 =	sld [smem:$0x3FB4]  }
0x2d: {  	s3 =	simm.s32 $0x108;
	s8 =	sld [smem:$0x3FB5]  }
0x2e: {  	s3 =	simm.s32 @!p0 $0x1082;
	s9 =	sld [smem:$0x3FB6]  }
0x2f: {  	lr =	sadd.s32 s0, s3;
	s0 =	sld [smem:$0x3FAD]  }
0x30: {  	s3 =	sld [smem:$0x3FB0]  }
0x31: {  	[smem:$0x3FB9] =	sst s10  }
0x32: {  	s10 =	sld [smem:$0x3FB7];
	_ =	sdelay $0x3  }
0x33: {  	p0 =	seq.s32 s10, $0x1;
	s10 =	sld [smem:$0x3FB9];
	_ =	sdelay $0x3  }
0x34: {  	[smem:$0x3FB9] =	sst s10  }
0x35: {  	s10 =	sld [smem:$0x3FB8];
	_ =	sdelay $0x3  }
0x36: {  	p1 =	seq.s32 s10, $0x1;
	s10 =	sld [smem:$0x3FB9];
	_ =	sdelay $0x3  }
0x37: {  	[smem:$0x3FB9] =	sst s10  }
0x38: {  	s10 =	sld [smem:$0x3FBA]  }
0x39: {  	_ = 	snop;
	(pc) =	sbr.ind lr, $3  }
0x3a: {  	_ = 	snop  }
0x3b: {  	_ = 	snop  }
0x3c: {  	p2 =	seq.s32 s10, $0x1;
	s10 =	sld [smem:$0x3FB9]  }
0x3d: {  	_ =	shalt  }
0x3e: {  	_ =	shalt  }
0x3f: {  	_ =	shalt  }
0x40: {  	_ =	shalt  }
0x41: {  	_ =	shalt  }
0x42: {  	_ =	shalt  }
0x43: {  	_ =	shalt  }
0x44: {  	_ =	shalt  }
0x45: {  	_ =	shalt  }
0x46: {  	_ =	shalt  }
0x47: {  	_ =	shalt  }
0x48: {  	_ =	shalt  }
0x49: {  	_ =	shalt  }
0x4a: {  	_ =	shalt  }
0x4b: {  	_ =	shalt  }
0x4c: {  	_ =	shalt  }
0x4d: {  	_ =	shalt  }
0x4e: {  	_ =	shalt  }
0x4f: {  	_ =	shalt  }
0x50: {  	_ =	shalt  }
0x51: {  	_ =	shalt  }
0x52: {  	_ =	shalt  }
0x53: {  	_ =	shalt  }
0x54: {  	_ =	shalt  }
0x55: {  	_ =	shalt  }
0x56: {  	_ =	shalt  }
0x57: {  	_ =	shalt  }
0x58: {  	_ =	shalt  }
0x59: {  	_ =	shalt  }
0x5a: {  	_ =	shalt  }
0x5b: {  	_ =	shalt  }
0x5c: {  	_ =	shalt  }
0x5d: {  	_ =	shalt  }
0x5e: {  	_ =	shalt  }
0x5f: {  	_ =	shalt  }
0x60: {  	_ =	shalt  }
0x61: {  	_ =	shalt  }
0x62: {  	_ =	shalt  }
0x63: {  	_ =	shalt  }
0x64: {  	_ =	shalt  }
0x65: {  	_ =	shalt  }
0x66: {  	_ =	shalt  }
0x67: {  	_ =	shalt  }
0x68: {  	_ =	shalt  }
0x69: {  	_ =	shalt  }
0x6a: {  	_ =	shalt  }
0x6b: {  	_ =	shalt  }
0x6c: {  	_ =	shalt  }
0x6d: {  	_ =	shalt  }
0x6e: {  	_ =	shalt  }
0x6f: {  	_ =	shalt  }
0x70: {  	_ =	shalt  }
0x71: {  	_ =	shalt  }
0x72: {  	_ =	shalt  }
0x73: {  	_ =	shalt  }
0x74: {  	_ =	shalt  }
0x75: {  	_ =	shalt  }
0x76: {  	_ =	shalt  }
0x77: {  	_ =	shalt  }
0x78: {  	_ =	shalt  }
0x79: {  	_ =	shalt  }
0x7a: {  	_ =	shalt  }
0x7b: {  	_ =	shalt  }
0x7c: {  	_ =	shalt  }
0x7d: {  	_ =	shalt  }
0x7e: {  	_ =	shalt  }
0x7f: {  	_ =	shalt  }
0x80: {  	_ =	shalt  }
0x81: {  	_ =	shalt  }
0x82: {  	_ =	shalt  }
0x83: {  	_ =	shalt  }
0x84: {  	_ =	shalt  }
0x85: {  	_ =	shalt  }
0x86: {  	_ =	shalt  }
0x87: {  	_ =	shalt  }
.Lfunc_end0:
.L_simem_size_0:
called_computation_lowered:
.L_overlay_start_0:
0x88: {  	s2 =	sld [smem:$0x3FD9]  }
0x89: {  	s3 =	sld [smem:$0x3FFE];
	_ =	sdelay $0x1  }
0x8a: {  	s1 =	srdreg.scid  }
0x8b: {  	s0 =	sand.u32 $0x1, s1  }
0x8c: {  	s17 =	sshll.u32 s0, $0xA;
	s2 =	sadd.s32 s3, s2  }
0x8d: {  	s2 =	sadd.s32 s2, s17  }
0x8e: {  	[smem:$0x3FC5] =	sst s2  }
0x8f: {  	_ = 	snop  }
0x90: {  	s2 =	sld [smem:$0x3FC8]  }
0x91: {  	s18 =	sld [smem:$0x3FD0];
	(tm) =	ssettm $0x1  }
0x92: {  	s4 =	sld [smem:$0x3FFB];
	_ =	sdelay $0x3  }
0x93: {  	_ =	strace s4  }
0x94: {  	s4 =	sld [smem:$0x3FFC];
	_ =	sdelay $0x3  }
0x95: {  	_ =	strace s4  }
0x96: {  	s4 =	sld [smem:$0x3FFD];
	_ =	sdelay $0x3  }
0x97: {  	_ =	strace s4  }
0x98: {  	_ =	strace $0x8FFFFFFF  }
0x99: {  	s19 =	sld [smem:$0x3FDB];
	_ =	sdelay $0x1  }
0x9a: {  	s5 =	simm.s32 $_scs_section_size  }
0x9b: {  	s6 =	simm.s32 $_size__tile_overlayer_lowered;
	s7 =	simm.s32 $_tile_overlayer_lowered  }
0x9c: {  	s22 =	simm.s32 $0x1BFF;
	s21 =	sshll.u32 s7, $0x1;
	s4 =	sadd.s32 s5, s19  }
0x9d: {  	s8 =	simm.s32 $0x0;
	s20 =	sshll.u32 s6, $0x1;
	s6 =	sadd.s32 s21, s4  }
0x9e: {  	[timem:s8], [sflag:s22] =	dma.local [hbm:s6], s20  }
0x9f: {  	_ =	swait.ge [sflag:s22], s20  }
0xa0: {  	s5 =	ssub.s32 $0x0, s20;
	[sflag:s22] =	ssyncset.done $0x0  }
0xa1: {  	[sflag:s22] =	ssyncadd.s32 s5;
	_ =	sdelay $0x1  }
0xa2: {  	s23 =	simm.s32 $0x1B8B  }
0xa3: {  	_ =	swait.ge [sflag:s23], $0x1  }
0xa4: {  	[sflag:s23] =	ssyncset.done $0x0  }
0xa5: {  	s25 =	simm.s32 $0x1B8E;
	s24 =	sld [smem:$0x3FFE];
	[sflag:s23] =	ssyncadd.s32 $0xFFFFFFFF  }
0xa6: {  	s26 =	simm.s32 $execute0_lowered;
	[smem:$0x3FD2] =	sst s25  }
0xa7: {  	s6 =	sshll.u32 s26, $0x1;
	_ =	strace $0x80000046;
	[dreg:$0x1] =	wrdreg $0xFFFFFFFF  }
0xa8: {  	s28 =	simm.s32 $_size_execute0_lowered;
	s4 =	sadd.s32 s4, s6;
	[dreg:$0x0] =	wrdreg $0x0  }
0xa9: {  	s6 =	sshll.u32 s28, $0x1;
	[dreg:$0x2] =	wrdreg s4  }
0xaa: {  	[dreg:$0x3] =	wrdreg s6  }
0xab: {  	[dreg:$0x4] =	wrdreg $0xC0  }
0xac: {  	_ =	task [dreg:s8], $0x5FFFF  }
0xad: {  	[dreg:$0x1] =	wrdreg $0xFFFFFFFF  }
0xae: {  	[dreg:$0x0] =	wrdreg $0x60  }
0xaf: {  	[dreg:$0x2] =	wrdreg s2  }
0xb0: {  	[dreg:$0x3] =	wrdreg s24  }
0xb1: {  	[dreg:$0x4] =	wrdreg s18  }
0xb2: {  	[dreg:$0x5] =	wrdreg $0x9  }
0xb3: {  	_ =	task.clear_ibuf [dreg:s8], $0x6FFFF;
	_ =	strace $0x90000046  }
0xb4: {  	s29 =	simm.s32 $0x9;
	_ =	strace $0x80000048  }
0xb5: {  	_ =	swait.ge [sflag:s29], $0x1  }
0xb6: {  	[sflag:s29] =	ssyncadd.s32 $0xFFFFFFFF  }
0xb7: {  	_ =	strace $0x90000048  }
0xb8: {  	_ =	sfence  }
0xb9: {  	s30 =	sld [smem:$0x0];
	_ =	sdelay $0x2  }
0xba: {  	s31 =	sshll.u32 s1, $0xD;
	s1 =	sshrl.u32 s1, $0x2  }
0xbb: {  	s3 =	sand.u32 $0x4000, s31;
	s1 =	sadd.s32 s1, s30  }
0xbc: {  	s0 =	sor.u32 s3, s0;
	s1 =	sshll.u32 s1, $0x11  }
0xbd: {  	s0 =	sor.u32 s1, s0  }
0xbe: {  	s0 =	sadd.s32 $0x8F2B, s0  }
0xbf: {  	[sflag:s0] =	ssyncadd.remote.s32 $0x1  }
0xc0: {  	_ =	sfence.sel $0xFFFF  }
0xc1: {  	[dreg:$0x0] =	wrdreg $0xFFFFFFFF;
	(pc) =	sbr.abs _section_cstart, $3  }
0xc2: {  	[dreg:$0x1] =	wrdreg $0xFFFFFFFF  }
0xc3: {  	_ =	task.clear_ibuf [dreg:s8], $0x2FFFF;
	_ =	strace $0x9FFFFFFF  }
0xc4: {  	(tm) =	ssettm $0x7FFFFFFF  }
0xc5: {  	_ =	shalt  }
tec
execute0_lowered:
.L_overlay_start_1:
0x0: {  	(tag) =	ssettag $0x1  }
0x1: {  	v0 =	vimm.s32 $0x880;
	vm9 =	vcmask $0x300  }
0x2: {  	vm8 =	vcmask $0x704;
	vm6 =	vcmask $0xB08;
	vm2 =	vcmask $0xF0C  }
0x3: {  	vm3 =	vcmask $0x1310;
	vm4 =	vcmask $0x1714;
	vm5 =	vcmask $0x1B18  }
0x4: {  	vm0 =	vcmask $0x1F1C;
	v4 =	vimm.s32 $0x800;
	vm1 =	vcmask $0x2320  }
0x5: {  	v5 =	vimm.s32 $0x780;
	vm7 =	vcmask $0x2724;
	vm10 =	vcmask $0x2B28  }
0x6: {  	vm11 =	vcmask $0x2F2C;
	vm12 =	vcmask $0x3330;
	vm13 =	vcmask $0x3734  }
0x7: {  	vm14 =	vcmask $0x3B38;
	v6 =	vimm.s32 $0x700;
	v7 =	vimm.s32 $0x680  }
0x8: {  	v8 =	vimm.s32 $0x600;
	v9 =	vimm.s32 $0x580;
	v10 =	vimm.s32 $0x500  }
0x9: {  	v11 =	vimm.s32 $0x480;
	v12 =	vimm.s32 $0x400;
	v13 =	vimm.s32 $0x380  }
0xa: {  	v14 =	vimm.s32 $0x300;
	v15 =	vimm.s32 $0x280;
	v16 =	vimm.s32 $0x200  }
0xb: {  	v17 =	vimm.s32 $0x180;
	v19 =	vimm.s32 $0xFEDCBA9;
	v20 =	vimm.s32 $0x87654321  }
0xc: {  	v21 =	vimm.s32 $0x98765432;
	v22 =	vimm.s32 $0x210FEDCB;
	v23 =	vimm.s32 $0xA9876543  }
0xd: {  	v33 =	vimm.s32 $0xCBA98765;
	v35 =	vimm.s32 $0x6543210F;
	v36 =	vimm.s32 $0xEDCBA987  }
0xe: {  	v37 =	vimm.s32 $0xFEDCBA98;
	v38 =	vimm.s32 $0x76543210;
	v0 =	vsel vm9, $0x900, v0  }
0xf: {  	v4 =	vsel vm9, $0x880, v4;
	v5 =	vsel vm9, $0x800, v5;
	v6 =	vsel vm9, $0x780, v6  }
0x10: {  	v7 =	vsel vm9, $0x700, v7;
	v8 =	vsel vm9, $0x680, v8;
	v9 =	vsel vm9, $0x600, v9  }
0x11: {  	v10 =	vsel vm9, $0x580, v10;
	v11 =	vsel vm9, $0x500, v11;
	v12 =	vsel vm9, $0x480, v12  }
0x12: {  	v13 =	vsel vm9, $0x400, v13;
	v14 =	vsel vm9, $0x380, v14;
	v15 =	vsel vm9, $0x300, v15  }
0x13: {  	v16 =	vsel vm9, $0x280, v16;
	v17 =	vsel vm9, $0x200, v17;
	v19 =	vunpack.c.l.s4.s8 v19  }
0x14: {  	v21 =	vunpack.c.l.s4.s8 v21;
	v22 =	vunpack.c.l.s4.s8 v22;
	v35 =	vunpack.c.l.s4.s8 v35  }
0x15: {  	v36 =	vunpack.c.l.s4.s8 v36;
	v37 =	vunpack.c.l.s4.s8 v37;
	v0 =	vsel vm8, $0x180, v0  }
0x16: {  	v4 =	vsel vm8, $0x900, v4;
	v5 =	vsel vm8, $0x880, v5;
	v6 =	vsel vm8, $0x800, v6  }
0x17: {  	v7 =	vsel vm8, $0x780, v7;
	v8 =	vsel vm8, $0x700, v8;
	v9 =	vsel vm8, $0x680, v9  }
0x18: {  	v10 =	vsel vm8, $0x600, v10;
	v11 =	vsel vm8, $0x580, v11;
	v12 =	vsel vm8, $0x500, v12  }
0x19: {  	v13 =	vsel vm8, $0x480, v13;
	v14 =	vsel vm8, $0x400, v14;
	v15 =	vsel vm8, $0x380, v15  }
0x1a: {  	v16 =	vsel vm8, $0x300, v16;
	v17 =	vsel vm8, $0x280, v17;
	v1 =	vsel vm6, $0x200, v0  }
0x1b: {  	v0 =	vlaneseq.u32;
	v4 =	vsel vm6, $0x180, v4;
	v5 =	vsel vm6, $0x900, v5  }
0x1c: {  	v6 =	vsel vm6, $0x880, v6;
	v7 =	vsel vm6, $0x800, v7;
	v8 =	vsel vm6, $0x780, v8  }
0x1d: {  	v9 =	vsel vm6, $0x700, v9;
	v10 =	vsel vm6, $0x680, v10;
	v11 =	vsel vm6, $0x600, v11  }
0x1e: {  	v12 =	vsel vm6, $0x580, v12;
	v13 =	vsel vm6, $0x500, v13;
	v14 =	vsel vm6, $0x480, v14  }
0x1f: {  	v15 =	vsel vm6, $0x400, v15;
	v16 =	vsel vm6, $0x380, v16;
	v17 =	vsel vm6, $0x300, v17  }
0x20: {  	v25 =	vunpack.c.0.s8.s32 v19;
	v19 =	vunpack.c.l.s4.s8 v20;
	v20 =	vimm.s32 $0x10FEDCBA  }
0x21: {  	v28 =	vunpack.c.0.s8.s32 v21;
	v29 =	vunpack.c.0.s8.s32 v22;
	v35 =	vunpack.c.0.s8.s32 v35  }
0x22: {  	v36 =	vunpack.c.0.s8.s32 v36;
	v37 =	vunpack.c.0.s8.s32 v37;
	v2 =	vsel vm2, $0x280, v1  }
0x23: {  	v1 =	vor.u32 $0x80, v0;
	v4 =	vsel vm2, $0x200, v4;
	v5 =	vsel vm2, $0x180, v5  }
0x24: {  	v6 =	vsel vm2, $0x900, v6;
	v7 =	vsel vm2, $0x880, v7;
	v8 =	vsel vm2, $0x800, v8  }
0x25: {  	v9 =	vsel vm2, $0x780, v9;
	v10 =	vsel vm2, $0x700, v10;
	v11 =	vsel vm2, $0x680, v11  }
0x26: {  	v12 =	vsel vm2, $0x600, v12;
	v13 =	vsel vm2, $0x580, v13;
	v14 =	vsel vm2, $0x500, v14  }
0x27: {  	v15 =	vsel vm2, $0x480, v15;
	v16 =	vsel vm2, $0x400, v16;
	v17 =	vsel vm2, $0x380, v17  }
0x28: {  	v18 =	vmul.u32 $0x80, v0;
	v20 =	vunpack.c.l.s4.s8 v20;
	v3 =	vsel vm3, $0x300, v2  }
0x29: {  	v2 =	vor.u32 $0x100, v0;
	v4 =	vsel vm3, $0x280, v4;
	v5 =	vsel vm3, $0x200, v5  }
0x2a: {  	v6 =	vsel vm3, $0x180, v6;
	v7 =	vsel vm3, $0x900, v7;
	v8 =	vsel vm3, $0x880, v8  }
0x2b: {  	v9 =	vsel vm3, $0x800, v9;
	v10 =	vsel vm3, $0x780, v10;
	v11 =	vsel vm3, $0x700, v11  }
0x2c: {  	v12 =	vsel vm3, $0x680, v12;
	v13 =	vsel vm3, $0x600, v13;
	v14 =	vsel vm3, $0x580, v14  }
0x2d: {  	v15 =	vsel vm3, $0x500, v15;
	v16 =	vsel vm3, $0x480, v16;
	v17 =	vsel vm3, $0x400, v17  }
0x2e: {  	v26 =	vunpack.c.0.s8.s32 v19;
	v19 =	vunpack.c.l.s4.s8 v23;
	v41 =	vcombine.low v36, v35  }
0x2f: {  	v37 =	vand.u32 $0xF, v37;
	v63 =	vcombine.low v35, v36;
	v3 =	vsel vm4, $0x380, v3  }
0x30: {  	v4 =	vsel vm4, $0x300, v4;
	v5 =	vsel vm4, $0x280, v5;
	v6 =	vsel vm4, $0x200, v6  }
0x31: {  	v7 =	vsel vm4, $0x180, v7;
	v8 =	vsel vm4, $0x900, v8;
	v9 =	vsel vm4, $0x880, v9  }
0x32: {  	v10 =	vsel vm4, $0x800, v10;
	v11 =	vsel vm4, $0x780, v11;
	v12 =	vsel vm4, $0x700, v12  }
0x33: {  	v13 =	vsel vm4, $0x680, v13;
	v14 =	vsel vm4, $0x600, v14;
	v15 =	vsel vm4, $0x580, v15  }
0x34: {  	v16 =	vsel vm4, $0x500, v16;
	v17 =	vsel vm4, $0x480, v17;
	v18 =	vadd.s32 $0x180, v18  }
0x35: {  	v27 =	vunpack.c.0.s8.s32 v20;
	v20 =	vimm.s32 $0x3210FEDC;
	v3 =	vsel vm5, $0x400, v3  }
0x36: {  	v4 =	vsel vm5, $0x380, v4;
	v5 =	vsel vm5, $0x300, v5;
	v6 =	vsel vm5, $0x280, v6  }
0x37: {  	v7 =	vsel vm5, $0x200, v7;
	v8 =	vsel vm5, $0x180, v8;
	v9 =	vsel vm5, $0x900, v9  }
0x38: {  	v10 =	vsel vm5, $0x880, v10;
	v11 =	vsel vm5, $0x800, v11;
	v12 =	vsel vm5, $0x780, v12  }
0x39: {  	v13 =	vsel vm5, $0x700, v13;
	v14 =	vsel vm5, $0x680, v14;
	v15 =	vsel vm5, $0x600, v15  }
0x3a: {  	v16 =	vsel vm5, $0x580, v16;
	v17 =	vsel vm5, $0x500, v17;
	v30 =	vunpack.c.0.s8.s32 v19  }
0x3b: {  	v19 =	vunpack.c.l.s4.s8 v20;
	v20 =	vimm.s32 $0xBA987654;
	v21 =	vcombine.low v26, v25  }
0x3c: {  	v61 =	vcombine.low v25, v26;
	v26 =	vand.u32 $0xF, v41;
	v3 =	vsel vm0, $0x480, v3  }
0x3d: {  	v4 =	vsel vm0, $0x400, v4;
	v5 =	vsel vm0, $0x380, v5;
	v6 =	vsel vm0, $0x300, v6  }
0x3e: {  	v7 =	vsel vm0, $0x280, v7;
	v8 =	vsel vm0, $0x200, v8;
	v9 =	vsel vm0, $0x180, v9  }
0x3f: {  	v10 =	vsel vm0, $0x900, v10;
	v11 =	vsel vm0, $0x880, v11;
	v12 =	vsel vm0, $0x800, v12  }
0x40: {  	v13 =	vsel vm0, $0x780, v13;
	v14 =	vsel vm0, $0x700, v14;
	v15 =	vsel vm0, $0x680, v15  }
0x41: {  	v16 =	vsel vm0, $0x600, v16;
	v17 =	vsel vm0, $0x580, v17;
	v22 =	vcombine.low v28, v27  }
0x42: {  	v20 =	vunpack.c.l.s4.s8 v20;
	v28 =	vcombine.low v27, v28;
	v3 =	vsel vm1, $0x500, v3  }
0x43: {  	v4 =	vsel vm1, $0x480, v4;
	v5 =	vsel vm1, $0x400, v5;
	v6 =	vsel vm1, $0x380, v6  }
0x44: {  	v7 =	vsel vm1, $0x300, v7;
	v8 =	vsel vm1, $0x280, v8;
	v9 =	vsel vm1, $0x200, v9  }
0x45: {  	v10 =	vsel vm1, $0x180, v10;
	v11 =	vsel vm1, $0x900, v11;
	v12 =	vsel vm1, $0x880, v12  }
0x46: {  	v13 =	vsel vm1, $0x800, v13;
	v14 =	vsel vm1, $0x780, v14;
	v15 =	vsel vm1, $0x700, v15  }
0x47: {  	v16 =	vsel vm1, $0x680, v16;
	v17 =	vsel vm1, $0x600, v17;
	v23 =	vcombine.low v30, v29  }
0x48: {  	v31 =	vunpack.c.0.s8.s32 v19;
	v19 =	vimm.s32 $0x43210FED;
	v29 =	vcombine.low v29, v30  }
0x49: {  	v27 =	vand.u32 $0xF, v61;
	v3 =	vsel vm7, $0x580, v3;
	v4 =	vsel vm7, $0x500, v4  }
0x4a: {  	v5 =	vsel vm7, $0x480, v5;
	v6 =	vsel vm7, $0x400, v6;
	v7 =	vsel vm7, $0x380, v7  }
0x4b: {  	v8 =	vsel vm7, $0x300, v8;
	v9 =	vsel vm7, $0x280, v9;
	v10 =	vsel vm7, $0x200, v10  }
0x4c: {  	v11 =	vsel vm7, $0x180, v11;
	v12 =	vsel vm7, $0x900, v12;
	v13 =	vsel vm7, $0x880, v13  }
0x4d: {  	v14 =	vsel vm7, $0x800, v14;
	v15 =	vsel vm7, $0x780, v15;
	v16 =	vsel vm7, $0x700, v16  }
0x4e: {  	v17 =	vsel vm7, $0x680, v17;
	v32 =	vunpack.c.0.s8.s32 v20;
	v24 =	vunpack.c.l.s4.s8 v19  }
0x4f: {  	v19 =	vand.u32 $0xF, v21;
	v20 =	vand.u32 $0xF, v22;
	v22 =	vunpack.c.l.s4.s8 v33  }
0x50: {  	v28 =	vand.u32 $0xF, v28;
	v33 =	vand.u32 $0xF, v63;
	v3 =	vsel vm10, $0x600, v3  }
0x51: {  	v4 =	vsel vm10, $0x580, v4;
	v5 =	vsel vm10, $0x500, v5;
	v6 =	vsel vm10, $0x480, v6  }
0x52: {  	v7 =	vsel vm10, $0x400, v7;
	v8 =	vsel vm10, $0x380, v8;
	v9 =	vsel vm10, $0x300, v9  }
0x53: {  	v10 =	vsel vm10, $0x280, v10;
	v11 =	vsel vm10, $0x200, v11;
	v12 =	vsel vm10, $0x180, v12  }
0x54: {  	v13 =	vsel vm10, $0x900, v13;
	v14 =	vsel vm10, $0x880, v14;
	v15 =	vsel vm10, $0x800, v15  }
0x55: {  	v16 =	vsel vm10, $0x780, v16;
	v17 =	vsel vm10, $0x700, v17;
	v21 =	vand.u32 $0xF, v23  }
0x56: {  	v29 =	vand.u32 $0xF, v29;
	v3 =	vsel vm11, $0x680, v3;
	v4 =	vsel vm11, $0x600, v4  }
0x57: {  	v5 =	vsel vm11, $0x580, v5;
	v6 =	vsel vm11, $0x500, v6;
	v7 =	vsel vm11, $0x480, v7  }
0x58: {  	v8 =	vsel vm11, $0x400, v8;
	v9 =	vsel vm11, $0x380, v9;
	v10 =	vsel vm11, $0x300, v10  }
0x59: {  	v11 =	vsel vm11, $0x280, v11;
	v12 =	vsel vm11, $0x200, v12;
	v13 =	vsel vm11, $0x180, v13  }
0x5a: {  	v14 =	vsel vm11, $0x900, v14;
	v15 =	vsel vm11, $0x880, v15;
	v16 =	vsel vm11, $0x800, v16  }
0x5b: {  	v17 =	vsel vm11, $0x780, v17;
	v23 =	vcombine.low v32, v31;
	v59 =	vunpack.c.0.s8.s32 v24  }
0x5c: {  	v34 =	vunpack.c.0.s8.s32 v22;
	v22 =	vimm.s32 $0x543210FE;
	v24 =	vimm.s32 $0xDCBA9876  }
0x5d: {  	v30 =	vcombine.low v31, v32;
	v3 =	vsel vm12, $0x700, v3;
	v4 =	vsel vm12, $0x680, v4  }
0x5e: {  	v5 =	vsel vm12, $0x600, v5;
	v6 =	vsel vm12, $0x580, v6;
	v7 =	vsel vm12, $0x500, v7  }
0x5f: {  	s0 =	rddreg [dreg:$0x0];
	v8 =	vsel vm12, $0x480, v8;
	v9 =	vsel vm12, $0x400, v9;
	v10 =	vsel vm12, $0x380, v10  }
0x60: {  	s1 =	rddreg [dreg:$0x1];
	v11 =	vsel vm12, $0x300, v11;
	v12 =	vsel vm12, $0x280, v12;
	v13 =	vsel vm12, $0x200, v13  }
0x61: {  	s2 =	rddreg [dreg:$0x2];
	v14 =	vsel vm12, $0x180, v14;
	v15 =	vsel vm12, $0x900, v15;
	v16 =	vsel vm12, $0x880, v16  }
0x62: {  	s3 =	simm.s32 $0x0;
	s4 =	srdreg.scid;
	s8 =	stileid.u32;
	v17 =	vsel vm12, $0x800, v17;
	v22 =	vunpack.c.l.s4.s8 v22;
	v24 =	vunpack.c.l.s4.s8 v24  }
0x63: {  	s16 =	simm.s32 $0x7580;
	s18 =	simm.s32 $0x7600;
	s20 =	simm.s32 $0x1;
	v3 =	vsel vm13, $0x780, v3;
	v4 =	vsel vm13, $0x700, v4;
	v5 =	vsel vm13, $0x680, v5  }
0x64: {  	s21 =	simm.s32 $0x3;
	s28 =	simm.s32 $0xB780;
	s29 =	simm.s32 $0xF780;
	v6 =	vsel vm13, $0x600, v6;
	v7 =	vsel vm13, $0x580, v7;
	v8 =	vsel vm13, $0x500, v8  }
0x65: {  	s30 =	simm.s32 $0x400;
	s31 =	simm.s32 $0x271000;
	s11 =	simm.s32 $0x0;
	v9 =	vsel vm13, $0x480, v9;
	v10 =	vsel vm13, $0x400, v10;
	v11 =	vsel vm13, $0x380, v11  }
0x66: {  	[smem:$0x7FF] =	sst s3;
	s4 =	sand.u32 $0x1, s4;
	s5 =	sadd.s32 $0x13C00, s1;
	v12 =	vsel vm13, $0x300, v12;
	v13 =	vsel vm13, $0x280, v13;
	v14 =	vsel vm13, $0x200, v14  }
0x67: {  	s7 =	sshll.u32 s8, $0x1;
	s6 =	sadd.s32 $0x9E00, s1;
	p0 =	slt.u32 s8, $0x2;
	v15 =	vsel vm13, $0x180, v15;
	v16 =	vsel vm13, $0x900, v16;
	v17 =	vsel vm13, $0x880, v17  }
0x68: {  	_ =	strace $0x80000047;
	[dreg:$0x4] =	wrdreg s5;
	s22 =	ssub.s32 $0x2, s4;
	v31 =	vcombine.low v59, v34;
	v30 =	vand.u32 $0xF, v30;
	v3 =	vsel vm14, $0x800, v3  }
0x69: {  	s4 =	sor.u32 s4, s7;
	s7 =	simm.s32 $0x4E;
	s9 =	sshrl.u32 s22, $0x1;
	v4 =	vsel vm14, $0x780, v4;
	v5 =	vsel vm14, $0x700, v5;
	v6 =	vsel vm14, $0x680, v6  }
0x6a: {  	s8 =	sshll.u32 s4, $0x4;
	s7 =	simm.s32 @!p0 $0x4D;
	s4 =	sshll.u32 s4, $0x7;
	v7 =	vsel vm14, $0x600, v7;
	v8 =	vsel vm14, $0x580, v8;
	v9 =	vsel vm14, $0x500, v9  }
0x6b: {  	s5 =	ssub.s32 s22, s9;
	s23 =	sadd.s32 s6, s8;
	s24 =	sadd.s32 s1, s8;
	v10 =	vsel vm14, $0x480, v10;
	v11 =	vsel vm14, $0x400, v11;
	v12 =	vsel vm14, $0x380, v12  }
0x6c: {  	s25 =	sor.u32 $0x200, s8;
	s13 =	sadd.s32 s2, s4;
	[dreg:$0x5] =	wrdreg s23;
	v13 =	vsel vm14, $0x300, v13;
	v14 =	vsel vm14, $0x280, v14;
	v15 =	vsel vm14, $0x200, v15  }
0x6d: {  	s22 =	simm.s32 $0x80;
	s4 =	simm.s32 $0x6;
	[dreg:$0x6] =	wrdreg s24;
	v39 =	vunpack.c.0.s8.s32 v22;
	v40 =	vunpack.c.0.s8.s32 v24;
	v24 =	vunpack.c.l.s4.s8 v38  }
0x6e: {  	s10 =	sadd.s32 s6, s25;
	s9 =	sadd.s32 s1, s25;
	s26 =	smax.u32 s5, $0x1;
	v16 =	vsel vm14, $0x180, v16;
	v22 =	vand.u32 $0xF, v23;
	v23 =	vcombine.low v34, v59  }
0x6f: {  	s23 =	simm.s32 $0x7780;
	s24 =	simm.s32 $0x5;
	[dreg:$0x7] =	wrdreg s10;
	v24 =	vunpack.c.0.s8.s32 v24;
	v60 =	vcombine.low v40, v39;
	v62 =	vcombine.low v39, v40  }
0x70: {  	s25 =	simm.s32 $0x2;
	s5 =	simm.s32 $0x13B80;
	[dreg:$0x8] =	wrdreg s9;
	v17 =	vsel vm14, $0x900, v17;
	v31 =	vand.u32 $0xF, v31;
	v23 =	vand.u32 $0xF, v23  }
0x71: {  	[dreg:$0x9] =	wrdreg s26;
	s26 =	simm.s32 $0x4;
	s9 =	simm.s32 $0x17B80;
	v24 =	vcombine.low v37, v24;
	v25 =	vand.u32 $0xF, v60;
	v32 =	vand.u32 $0xF, v62  }
.LBB2_1:
0x72: {  	[dreg:$0xa] =	wrdreg s11  }
0x73: {  	s2 =	rddreg [dreg:$0x4];
	s11 =	simm.s32 $0x9  }
0x74: {  	[tilespmem:s3], [sflag:$0x9] =	stream.linear.gather [hbm4b:s2+s3], $0x7580, $0x38;
	[tilespmem:$0x17F80] =	vst v63  }
0x75: {  	_ =	swait.ge [sflag:s11], $0x7580  }
0x76: {  	[sflag:s11] =	ssyncset.done $0x0  }
0x77: {  	s12 =	rddreg [dreg:$0x5];
	[sflag:s11] =	ssyncadd.s32 $0xFFFF8A80  }
0x78: {  	[tilespmem:s16], [sflag:$0x1] =	stream.linear.gather [hbm4b:s12+s3], $0x80, $0x38;
	[tilespmem:$0x17F80] =	vst v63  }
0x79: {  	s10 =	simm.s32 $0x7680;
	s14 =	rddreg [dreg:$0x6]  }
0x7a: {  	[tilespmem:s10], [sflag:$0x3] =	stream.linear.gather [hbm4b:s14+s3], $0x80, $0x38;
	[tilespmem:$0x17F80] =	vst v63  }
0x7b: {  	s15 =	rddreg [dreg:$0x7]  }
0x7c: {  	[tilespmem:s18], [sflag:$0x2] =	stream.linear.gather [hbm4b:s15+s3], $0x80, $0x38;
	[tilespmem:$0x17F80] =	vst v63  }
0x7d: {  	s19 =	simm.s32 $0x7700;
	s17 =	rddreg [dreg:$0x8]  }
0x7e: {  	[tilespmem:s19], [sflag:$0x4] =	stream.linear.gather [hbm4b:s17+s3], $0x80, $0x38;
	[tilespmem:$0x17F80] =	vst v63  }
0x7f: {  	_ =	swait.ge [sflag:s20], $0x80  }
0x80: {  	[sflag:s20] =	ssyncset.done $0x0  }
0x81: {  	[sflag:s20] =	ssyncadd.s32 $0xFFFFFF80  }
0x82: {  	_ =	swait.ge [sflag:s21], $0x80  }
0x83: {  	[sflag:s21] =	ssyncset.done $0x0  }
0x84: {  	s14 =	simm.s32 $0x0;
	[sflag:s21] =	ssyncadd.s32 $0xFFFFFF80  }
0x85: {  	[tilespmem:s23], [sflag:$0x5] =	stream.indirect.gather [hbm4b:s0+s22], $0x80, s16, s22, $0xb8;
	[tilespmem:$0x17F80] =	vst v63  }
.LBB2_2:
0x86: {  	_ =	swait.ge [sflag:s24], $0x4000  }
0x87: {  	[sflag:s24] =	ssyncset.done $0x0  }
0x88: {  	[sflag:s24] =	ssyncadd.s32 $0xFFFFC000  }
0x89: {  	_ =	swait.ge [sflag:s25], $0x80  }
0x8a: {  	[sflag:s25] =	ssyncset.done $0x0  }
0x8b: {  	[sflag:s25] =	ssyncadd.s32 $0xFFFFFF80  }
0x8c: {  	_ =	swait.ge [sflag:s26], $0x80  }
0x8d: {  	p0 =	seq.s32 s14, $0x0;
	[sflag:s26] =	ssyncset.done $0x0  }
0x8e: {  	s2 =	simm.s32 @!p0 $0x7;
	[sflag:s26] =	ssyncadd.s32 $0xFFFFFF80  }
0x8f: {  	[tilespmem:s28], [sflag:$0x6] =	stream.indirect.gather [hbm4b:s0+s22], $0x80, s18, s22, $0xb8;
	[tilespmem:$0x17F80] =	vst v63  }
0x90: {  	_ =	swait.ge @!p0 [sflag:s2], $0x4180  }
0x91: {  	[sflag:s2] =	ssyncset.done @!p0 $0x0  }
0x92: {  	[sflag:s2] =	ssyncadd.s32 @!p0 $0xFFFFBE80;
	s2 =	simm.s32 $0x7580  }
0x93: {  	s10 =	simm.s32 $0x7680;
	v34 =	vld [tilespmem:s2+$0x0]  }
0x94: {  	v35 =	vld [tilespmem:s10+$0x0];
	_ =	sdelay $0x3  }
0x95: {  	v34 =	vmul.u32 $0x3, v34  }
0x96: {  	v35 =	vmul.u32 $0x3, v35;
	_ =	sdelay $0x3  }
0x97: {  	s11 =	simm.s32 $0x0  }
0x98: {  	v36 =	vld.idx.msk [tilespmem:v34+s11+$0x0], $0xffff  }
0x99: {  	v37 =	vld.idx.msk [tilespmem:v35+s11+$0x0], $0xffff;
	_ =	sdelay $0x1  }
0x9a: {  	v38 =	vor.u32 s11, v0  }
0x9b: {  	v39 =	vadd.s32 $0x1, v34  }
0x9c: {  	v40 =	vadd.s32 $0x1, v35  }
0x9d: {  	v36 =	vsub.f32 v36, v37;
	_ =	sdelay $0x1  }
0x9e: {  	[tilespmem:v38+s29+$0x0] =	vst.idx.msk $0xffff, v36  }
0x9f: {  	v36 =	vld.idx.msk [tilespmem:v39+s11+$0x0], $0xffff  }
0xa0: {  	v60 =	vld.idx.msk [tilespmem:v40+s11+$0x0], $0xffff;
	_ =	sdelay $0x1  }
0xa1: {  	v61 =	vor.u32 s11, v1  }
0xa2: {  	v34 =	vadd.s32 $0x2, v34  }
0xa3: {  	v62 =	vadd.s32 $0x2, v35  }
0xa4: {  	v63 =	vsub.f32 v36, v60;
	_ =	sdelay $0x1  }
0xa5: {  	[tilespmem:v61+s29+$0x0] =	vst.idx.msk $0xffff, v63  }
0xa6: {  	v35 =	vld.idx.msk [tilespmem:v34+s11+$0x0], $0xffff  }
0xa7: {  	v36 =	vld.idx.msk [tilespmem:v62+s11+$0x0], $0xffff  }
0xa8: {  	s15 =	sshll.u32 s14, $0x1;
	s12 =	simm.s32 $0x10;
	v34 =	vor.u32 s11, v2  }
.LBB2_3:
0xa9: {  	_ =	sdelay $0x2  }
0xaa: {  	p1 =	sne.s32 s12, $0x70;
	s2 =	sadd.s32 $0x10, s2;
	s10 =	sadd.s32 $0x10, s10;
	v35 =	vsub.f32 v35, v36  }
0xab: {  	s17 =	smov.u32 s12;
	s12 =	sadd.s32 $0x10, s12  }
0xac: {  	[tilespmem:v34+s29+$0x0] =	vst.idx.msk $0xffff, v35  }
0xad: {  	v34 =	vld [tilespmem:s2+$0x0]  }
0xae: {  	v35 =	vld [tilespmem:s10+$0x0];
	_ =	sdelay $0x3  }
0xaf: {  	v34 =	vmul.u32 $0x3, v34  }
0xb0: {  	v35 =	vmul.u32 $0x3, v35;
	_ =	sdelay $0x4  }
0xb1: {  	v36 =	vld.idx.msk [tilespmem:v34+s11+$0x0], $0xffff  }
0xb2: {  	v37 =	vld.idx.msk [tilespmem:v35+s11+$0x0], $0xffff;
	_ =	sdelay $0x2  }
0xb3: {  	v38 =	vor.u32 s17, v0  }
0xb4: {  	v39 =	vadd.s32 $0x1, v34;
	v40 =	vadd.s32 $0x1, v35;
	_ =	sdelay $0x1  }
0xb5: {  	v36 =	vsub.f32 v36, v37;
	_ =	sdelay $0x1  }
0xb6: {  	[tilespmem:v38+s29+$0x0] =	vst.idx.msk $0xffff, v36  }
0xb7: {  	v36 =	vld.idx.msk [tilespmem:v39+s11+$0x0], $0xffff  }
0xb8: {  	v37 =	vld.idx.msk [tilespmem:v40+s11+$0x0], $0xffff;
	_ =	sdelay $0x1  }
0xb9: {  	v38 =	vor.u32 s17, v1;
	_ =	sdelay $0x1  }
0xba: {  	v34 =	vadd.s32 $0x2, v34;
	v39 =	vadd.s32 $0x2, v35;
	_ =	sdelay $0x1  }
0xbb: {  	v35 =	vsub.f32 v36, v37  }
.Ltmp0:
0xbc: {  	(pc) =	sbr.rel @p1 .LBB2_3-.Ltmp0, $4  }
0xbd: {  	[tilespmem:v38+s29+$0x0] =	vst.idx.msk $0xffff, v35  }
0xbe: {  	v35 =	vld.idx.msk [tilespmem:v34+s11+$0x0], $0xffff  }
0xbf: {  	v36 =	vld.idx.msk [tilespmem:v39+s11+$0x0], $0xffff  }
0xc0: {  	v34 =	vor.u32 s17, v2  }
0xc1: {  	s2 =	sand.u32 $0x70, s11  }
0xc2: {  	v46 =	vor.u32 s2, v0  }
0xc3: {  	s12 =	sand.u32 $0x70, s11;
	v37 =	vshll.u32 v46, $0x7  }
0xc4: {  	v40 =	vor.u32 s12, v37  }
0xc5: {  	v37 =	vor.u32 v20, v40  }
0xc6: {  	v38 =	vor.u32 v19, v40  }
0xc7: {  	v35 =	vsub.f32 v35, v36;
	v56 =	vor.u32 v0, v40  }
0xc8: {  	v39 =	vor.u32 v21, v40  }
0xc9: {  	v58 =	vmov s12;
	v57 =	vor.u32 v26, v40;
	[tilespmem:v34+s29+$0x0] =	vst.idx.msk $0xffff, v35  }
0xca: {  	v41 =	vor.u32 v23, v40;
	v35 =	vshll.u32 v58, $0x7;
	v37 =	vld.idx.msk [tilespmem:v37+s23+$0x0], $0xffff  }
0xcb: {  	v42 =	vor.u32 v22, v40;
	v44 =	vadd.s32 v18, v35;
	v38 =	vld.idx.msk [tilespmem:v38+s23+$0x0], $0xffff  }
0xcc: {  	v43 =	vor.u32 v25, v40;
	v45 =	vadd.s32 v17, v35;
	v44 =	vor.u32 v46, v44;
	v36 =	vld.idx.msk [tilespmem:v56+s23+$0x0], $0xffff  }
0xcd: {  	v47 =	vadd.s32 v16, v35;
	v45 =	vor.u32 v46, v45;
	v39 =	vld.idx.msk [tilespmem:v39+s23+$0x0], $0xffff  }
0xce: {  	v48 =	vadd.s32 v15, v35;
	v47 =	vor.u32 v46, v47;
	v34 =	vld.idx.msk [tilespmem:v57+s23+$0x0], $0xffff  }
0xcf: {  	v63 =	vor.u32 v24, v40;
	v50 =	vadd.s32 v14, v35;
	v48 =	vor.u32 v46, v48;
	v41 =	vld.idx.msk [tilespmem:v41+s23+$0x0], $0xffff  }
0xd0: {  	v58 =	vor.u32 v27, v40;
	v52 =	vadd.s32 v13, v35;
	v50 =	vor.u32 v46, v50;
	v42 =	vld.idx.msk [tilespmem:v42+s23+$0x0], $0xffff  }
0xd1: {  	v53 =	vadd.s32 v12, v35;
	v52 =	vor.u32 v46, v52;
	v43 =	vld.idx.msk [tilespmem:v43+s23+$0x0], $0xffff;
	[tilespmem:v44+s29+$0x0] =	vst.idx.msk $0xffff, v36  }
0xd2: {  	v60 =	vadd.s32 v11, v35;
	v59 =	vor.u32 v46, v53;
	[tilespmem:v45+s29+$0x0] =	vst.idx.msk $0xffff, v38  }
0xd3: {  	v49 =	vadd.s32 v6, v35;
	v61 =	vor.u32 v46, v60;
	[tilespmem:v47+s29+$0x0] =	vst.idx.msk $0xffff, v37  }
0xd4: {  	v51 =	vadd.s32 v5, v35;
	v62 =	vadd.s32 v4, v35;
	[tilespmem:v48+s29+$0x0] =	vst.idx.msk $0xffff, v39  }
0xd5: {  	v60 =	vadd.s32 v10, v35;
	v56 =	vor.u32 v31, v40;
	[tilespmem:v50+s29+$0x0] =	vst.idx.msk $0xffff, v42  }
0xd6: {  	v57 =	vor.u32 v29, v40;
	v36 =	vor.u32 v46, v49;
	[tilespmem:v52+s29+$0x0] =	vst.idx.msk $0xffff, v41  }
0xd7: {  	v44 =	vor.u32 v33, v40;
	v48 =	vadd.s32 v3, v35;
	[tilespmem:v59+s29+$0x0] =	vst.idx.msk $0xffff, v43  }
0xd8: {  	v39 =	vor.u32 v46, v62;
	v59 =	vor.u32 v28, v40;
	[tilespmem:v61+s29+$0x0] =	vst.idx.msk $0xffff, v34  }
0xd9: {  	s17 =	simm.s32 $0x2;
	v62 =	vadd.s32 v8, v35;
	v37 =	vor.u32 v46, v48;
	v48 =	vor.u32 v32, v40;
	v42 =	vld.idx.msk [tilespmem:v63+s23+$0x0], $0xffff  }
0xda: {  	s2 =	sand.u32 $0x70, s17;
	v38 =	vor.u32 v46, v51;
	v49 =	vor.u32 v46, v62;
	v41 =	vor.u32 v30, v40;
	v40 =	vld.idx.msk [tilespmem:v56+s23+$0x0], $0xffff  }
0xdb: {  	s10 =	simm.s32 $0x10;
	v43 =	vor.u32 v46, v60;
	v61 =	vadd.s32 v9, v35;
	v34 =	vor.u32 s2, v0;
	v45 =	vld.idx.msk [tilespmem:v57+s23+$0x0], $0xffff  }
0xdc: {  	s19 =	sand.u32 $0x70, s10;
	v35 =	vadd.s32 v7, v35;
	v47 =	vor.u32 v46, v61;
	v63 =	vshll.u32 v34, $0x7;
	v51 =	vld.idx.msk [tilespmem:v58+s23+$0x0], $0xffff  }
0xdd: {  	s11 =	simm.s32 $0x4;
	v50 =	vor.u32 v46, v35;
	v46 =	vmov s19;
	v35 =	vor.u32 s19, v63;
	v52 =	vld.idx.msk [tilespmem:v59+s23+$0x0], $0xffff  }
.LBB2_5:
0xde: {  	p1 =	sne.s32 s11, $0x7E;
	v53 =	vor.u32 v0, v35;
	v48 =	vld.idx.msk [tilespmem:v48+s23+$0x0], $0xffff;
	s12 =	smov.u32 s11;
	s11 =	sadd.s32 $0x2, s11  }
0xdf: {  	v54 =	vor.u32 v19, v35;
	v41 =	vld.idx.msk [tilespmem:v41+s23+$0x0], $0xffff  }
0xe0: {  	v55 =	vor.u32 v20, v35;
	v44 =	vld.idx.msk [tilespmem:v44+s23+$0x0], $0xffff  }
0xe1: {  	v56 =	vor.u32 v21, v35;
	[tilespmem:v43+s29+$0x0] =	vst.idx.msk $0xffff, v42  }
0xe2: {  	v42 =	vor.u32 v22, v35;
	v43 =	vor.u32 v26, v35;
	[tilespmem:v47+s29+$0x0] =	vst.idx.msk $0xffff, v51  }
0xe3: {  	v47 =	vor.u32 v23, v35;
	v51 =	vor.u32 v25, v35;
	[tilespmem:v49+s29+$0x0] =	vst.idx.msk $0xffff, v52  }
0xe4: {  	[tilespmem:v50+s29+$0x0] =	vst.idx.msk $0xffff, v45  }
0xe5: {  	[tilespmem:v36+s29+$0x0] =	vst.idx.msk $0xffff, v41  }
0xe6: {  	[tilespmem:v38+s29+$0x0] =	vst.idx.msk $0xffff, v40  }
0xe7: {  	[tilespmem:v39+s29+$0x0] =	vst.idx.msk $0xffff, v48  }
0xe8: {  	v46 =	vshll.u32 v46, $0x7;
	[tilespmem:v37+s29+$0x0] =	vst.idx.msk $0xffff, v44  }
0xe9: {  	v36 =	vadd.s32 v6, v46;
	v38 =	vadd.s32 v5, v46;
	v37 =	vadd.s32 v17, v46;
	v40 =	vld.idx.msk [tilespmem:v55+s23+$0x0], $0xffff  }
0xea: {  	v36 =	vor.u32 v34, v36;
	v39 =	vadd.s32 v18, v46;
	v44 =	vadd.s32 v4, v46;
	v41 =	vld.idx.msk [tilespmem:v54+s23+$0x0], $0xffff  }
0xeb: {  	v48 =	vor.u32 v34, v39;
	v49 =	vor.u32 v34, v37;
	v37 =	vadd.s32 v16, v46;
	v45 =	vld.idx.msk [tilespmem:v53+s23+$0x0], $0xffff  }
0xec: {  	v39 =	vadd.s32 v3, v46;
	v52 =	vor.u32 v34, v37;
	v37 =	vadd.s32 v15, v46;
	v50 =	vld.idx.msk [tilespmem:v56+s23+$0x0], $0xffff  }
0xed: {  	v54 =	vadd.s32 v14, v46;
	v53 =	vor.u32 v34, v37;
	v37 =	vor.u32 v34, v39;
	v43 =	vld.idx.msk [tilespmem:v43+s23+$0x0], $0xffff  }
0xee: {  	v38 =	vor.u32 v34, v38;
	v54 =	vor.u32 v34, v54;
	v39 =	vadd.s32 v13, v46;
	v47 =	vld.idx.msk [tilespmem:v47+s23+$0x0], $0xffff  }
0xef: {  	v55 =	vor.u32 v34, v39;
	v56 =	vadd.s32 v12, v46;
	v39 =	vor.u32 v34, v44;
	v42 =	vld.idx.msk [tilespmem:v42+s23+$0x0], $0xffff  }
0xf0: {  	v44 =	vld.idx.msk [tilespmem:v51+s23+$0x0], $0xffff;
	v51 =	vor.u32 v34, v56;
	v56 =	vadd.s32 v11, v46  }
0xf1: {  	[tilespmem:v48+s29+$0x0] =	vst.idx.msk $0xffff, v45;
	v45 =	vor.u32 v34, v56  }
0xf2: {  	v56 =	vor.u32 v27, v35;
	[tilespmem:v49+s29+$0x0] =	vst.idx.msk $0xffff, v41  }
0xf3: {  	v49 =	vor.u32 v31, v35;
	[tilespmem:v52+s29+$0x0] =	vst.idx.msk $0xffff, v40;
	v40 =	vor.u32 v24, v35  }
0xf4: {  	[tilespmem:v53+s29+$0x0] =	vst.idx.msk $0xffff, v50  }
0xf5: {  	v52 =	vor.u32 v28, v35;
	[tilespmem:v54+s29+$0x0] =	vst.idx.msk $0xffff, v42  }
0xf6: {  	v50 =	vor.u32 v29, v35;
	[tilespmem:v55+s29+$0x0] =	vst.idx.msk $0xffff, v47  }
0xf7: {  	v41 =	vor.u32 v30, v35;
	[tilespmem:v51+s29+$0x0] =	vst.idx.msk $0xffff, v44  }
0xf8: {  	v48 =	vor.u32 v32, v35;
	[tilespmem:v45+s29+$0x0] =	vst.idx.msk $0xffff, v43;
	v43 =	vadd.s32 v10, v46  }
.Ltmp1:
0xf9: {  	v44 =	vor.u32 v33, v35;
	v35 =	vadd.s32 v9, v46;
	v42 =	vld.idx.msk [tilespmem:v40+s23+$0x0], $0xffff;
	v43 =	vor.u32 v34, v43;
	(pc) =	sbr.rel @p1 .LBB2_5-.Ltmp1, $4  }
0xfa: {  	s2 =	sand.u32 $0x70, s12;
	v47 =	vor.u32 v34, v35;
	v35 =	vadd.s32 v8, v46;
	v40 =	vld.idx.msk [tilespmem:v49+s23+$0x0], $0xffff  }
0xfb: {  	s10 =	sadd.s32 $0x10, s10;
	v53 =	vor.u32 s2, v0;
	v49 =	vor.u32 v34, v35;
	v35 =	vadd.s32 v7, v46;
	v45 =	vld.idx.msk [tilespmem:v50+s23+$0x0], $0xffff  }
0xfc: {  	s2 =	sand.u32 $0x70, s10;
	v54 =	vshll.u32 v53, $0x7;
	v50 =	vor.u32 v34, v35;
	v34 =	vmov v53;
	v51 =	vld.idx.msk [tilespmem:v56+s23+$0x0], $0xffff  }
0xfd: {  	v46 =	vmov s2;
	v35 =	vor.u32 s2, v54;
	v52 =	vld.idx.msk [tilespmem:v52+s23+$0x0], $0xffff  }
0xfe: {  	_ =	sdelay $0x3  }
0xff: {  	v48 =	vld.idx.msk [tilespmem:v48+s23+$0x0], $0xffff  }
0x100: {  	v41 =	vld.idx.msk [tilespmem:v41+s23+$0x0], $0xffff  }
0x101: {  	v44 =	vld.idx.msk [tilespmem:v44+s23+$0x0], $0xffff;
	[tilespmem:v43+s29+$0x0] =	vst.idx.msk $0xffff, v42  }
0x102: {  	[tilespmem:v47+s29+$0x0] =	vst.idx.msk $0xffff, v51  }
0x103: {  	[tilespmem:v49+s29+$0x0] =	vst.idx.msk $0xffff, v52  }
0x104: {  	v47 =	vor.u32 v20, v35;
	[tilespmem:v50+s29+$0x0] =	vst.idx.msk $0xffff, v45  }
0x105: {  	v49 =	vor.u32 v19, v35;
	[tilespmem:v36+s29+$0x0] =	vst.idx.msk $0xffff, v41  }
0x106: {  	v50 =	vor.u32 v0, v35;
	[tilespmem:v38+s29+$0x0] =	vst.idx.msk $0xffff, v40  }
0x107: {  	v51 =	vor.u32 v21, v35;
	[tilespmem:v39+s29+$0x0] =	vst.idx.msk $0xffff, v48  }
0x108: {  	v52 =	vor.u32 v26, v35;
	[tilespmem:v37+s29+$0x0] =	vst.idx.msk $0xffff, v44  }
0x109: {  	v53 =	vor.u32 v23, v35;
	v42 =	vshll.u32 v46, $0x7;
	v40 =	vld.idx.msk [tilespmem:v47+s23+$0x0], $0xffff  }
0x10a: {  	v54 =	vor.u32 v22, v35;
	v56 =	vadd.s32 v18, v42;
	v43 =	vld.idx.msk [tilespmem:v49+s23+$0x0], $0xffff  }
0x10b: {  	v55 =	vor.u32 v25, v35;
	v46 =	vadd.s32 v17, v42;
	v45 =	vor.u32 v34, v56;
	v36 =	vld.idx.msk [tilespmem:v50+s23+$0x0], $0xffff  }
0x10c: {  	v57 =	vadd.s32 v16, v42;
	v46 =	vor.u32 v34, v46;
	v38 =	vld.idx.msk [tilespmem:v51+s23+$0x0], $0xffff  }
0x10d: {  	v58 =	vadd.s32 v15, v42;
	v39 =	vld.idx.msk [tilespmem:v52+s23+$0x0], $0xffff;
	v47 =	vor.u32 v34, v57  }
0x10e: {  	v59 =	vadd.s32 v14, v42;
	v48 =	vor.u32 v34, v58;
	v37 =	vld.idx.msk [tilespmem:v53+s23+$0x0], $0xffff  }
0x10f: {  	v60 =	vadd.s32 v13, v42;
	v41 =	vld.idx.msk [tilespmem:v54+s23+$0x0], $0xffff;
	v49 =	vor.u32 v34, v59  }
0x110: {  	v61 =	vadd.s32 v12, v42;
	v44 =	vld.idx.msk [tilespmem:v55+s23+$0x0], $0xffff;
	v50 =	vor.u32 v34, v60;
	[tilespmem:v45+s29+$0x0] =	vst.idx.msk $0xffff, v36  }
0x111: {  	v63 =	vadd.s32 v11, v42;
	v62 =	vor.u32 v34, v61;
	[tilespmem:v46+s29+$0x0] =	vst.idx.msk $0xffff, v43  }
0x112: {  	v46 =	vor.u32 v34, v63;
	[tilespmem:v47+s29+$0x0] =	vst.idx.msk $0xffff, v40  }
0x113: {  	v47 =	vor.u32 v24, v35;
	[tilespmem:v48+s29+$0x0] =	vst.idx.msk $0xffff, v38  }
0x114: {  	v48 =	vor.u32 v31, v35;
	[tilespmem:v49+s29+$0x0] =	vst.idx.msk $0xffff, v41  }
0x115: {  	v51 =	vor.u32 v27, v35;
	[tilespmem:v50+s29+$0x0] =	vst.idx.msk $0xffff, v37  }
0x116: {  	v52 =	vor.u32 v28, v35;
	[tilespmem:v62+s29+$0x0] =	vst.idx.msk $0xffff, v44  }
0x117: {  	v53 =	vor.u32 v32, v35;
	[tilespmem:v46+s29+$0x0] =	vst.idx.msk $0xffff, v39  }
0x118: {  	v50 =	vor.u32 v29, v35;
	v40 =	vld.idx.msk [tilespmem:v47+s23+$0x0], $0xffff  }
0x119: {  	v54 =	vor.u32 v30, v35;
	v55 =	vadd.s32 v10, v42;
	v38 =	vld.idx.msk [tilespmem:v48+s23+$0x0], $0xffff  }
0x11a: {  	v56 =	vor.u32 v33, v35;
	v57 =	vadd.s32 v9, v42;
	v44 =	vor.u32 v34, v55;
	v41 =	vld.idx.msk [tilespmem:v51+s23+$0x0], $0xffff  }
0x11b: {  	v58 =	vadd.s32 v8, v42;
	v45 =	vor.u32 v34, v57;
	v36 =	vld.idx.msk [tilespmem:v52+s23+$0x0], $0xffff  }
0x11c: {  	v59 =	vadd.s32 v7, v42;
	v46 =	vor.u32 v34, v58;
	v39 =	vld.idx.msk [tilespmem:v53+s23+$0x0], $0xffff  }
0x11d: {  	v60 =	vadd.s32 v6, v42;
	v47 =	vor.u32 v34, v59;
	v37 =	vld.idx.msk [tilespmem:v50+s23+$0x0], $0xffff  }
0x11e: {  	v61 =	vadd.s32 v5, v42;
	v43 =	vld.idx.msk [tilespmem:v54+s23+$0x0], $0xffff;
	v48 =	vor.u32 v34, v60  }
0x11f: {  	v49 =	vor.u32 v34, v61;
	v62 =	vadd.s32 v4, v42;
	v35 =	vld.idx.msk [tilespmem:v56+s23+$0x0], $0xffff;
	[tilespmem:v44+s29+$0x0] =	vst.idx.msk $0xffff, v40  }
0x120: {  	v63 =	vadd.s32 v3, v42;
	v51 =	vor.u32 v34, v62;
	[tilespmem:v45+s29+$0x0] =	vst.idx.msk $0xffff, v41  }
0x121: {  	v52 =	vor.u32 v34, v63;
	[tilespmem:v46+s29+$0x0] =	vst.idx.msk $0xffff, v36  }
0x122: {  	[tilespmem:v47+s29+$0x0] =	vst.idx.msk $0xffff, v37  }
0x123: {  	[tilespmem:v48+s29+$0x0] =	vst.idx.msk $0xffff, v43  }
0x124: {  	s2 =	smin.u32 s15, s7;
	[tilespmem:v49+s29+$0x0] =	vst.idx.msk $0xffff, v38  }
0x125: {  	s2 =	sshll.u32 s2, $0xC;
	[tilespmem:v51+s29+$0x0] =	vst.idx.msk $0xffff, v39  }
0x126: {  	s2 =	sadd.s32 s2, s13;
	[tilespmem:v52+s29+$0x0] =	vst.idx.msk $0xffff, v35  }
0x127: {  	[hbm4b:s2+s30] =	stream.strided.scatter [tilespmem:s29], [sflag:$0x7], $0x4000, s31, s30, $0x38;
	[tilespmem:$0x17F80] =	vst v63  }
0x128: {  	s10 =	simm.s32 $0x13780;
	s12 =	sadd.s32 $0x2, s15;
	s2 =	sadd.s32 $0x4E2000, s2  }
0x129: {  	[hbm4b:s2+s3] =	stream.linear.scatter [tilespmem:s10], [sflag:$0x7], $0x180, $0x38;
	[tilespmem:$0x17F80] =	vst v63  }
0x12a: {  	s2 =	smin.u32 s12, s7  }
0x12b: {  	s2 =	sshll.u32 s2, $0x9  }
0x12c: {  	s2 =	sor.u32 s8, s2  }
0x12d: {  	s17 =	sadd.s32 s6, s2  }
0x12e: {  	[tilespmem:s16], [sflag:$0x1] =	stream.linear.gather [hbm4b:s17+s3], $0x80, $0x38;
	[tilespmem:$0x17F80] =	vst v63  }
0x12f: {  	s19 =	simm.s32 $0x7680;
	s2 =	sadd.s32 s1, s2  }
0x130: {  	[tilespmem:s19], [sflag:$0x3] =	stream.linear.gather [hbm4b:s2+s3], $0x80, $0x38;
	[tilespmem:$0x17F80] =	vst v63  }
0x131: {  	_ =	swait.ge [sflag:s4], $0x4000  }
0x132: {  	[sflag:s4] =	ssyncset.done $0x0  }
0x133: {  	[sflag:s4] =	ssyncadd.s32 $0xFFFFC000  }
0x134: {  	_ =	swait.ge [sflag:s20], $0x80  }
0x135: {  	[sflag:s20] =	ssyncset.done $0x0  }
0x136: {  	[sflag:s20] =	ssyncadd.s32 $0xFFFFFF80  }
0x137: {  	_ =	swait.ge [sflag:s21], $0x80  }
0x138: {  	[sflag:s21] =	ssyncset.done $0x0  }
0x139: {  	s2 =	simm.s32 @!p0 $0x8;
	[sflag:s21] =	ssyncadd.s32 $0xFFFFFF80  }
0x13a: {  	[tilespmem:s23], [sflag:$0x5] =	stream.indirect.gather [hbm4b:s0+s22], $0x80, s16, s22, $0xb8;
	[tilespmem:$0x17F80] =	vst v63  }
0x13b: {  	_ =	swait.ge @!p0 [sflag:s2], $0x4180  }
0x13c: {  	[sflag:s2] =	ssyncset.done @!p0 $0x0  }
0x13d: {  	[sflag:s2] =	ssyncadd.s32 @!p0 $0xFFFFBE80;
	s2 =	simm.s32 $0x7600  }
0x13e: {  	s11 =	simm.s32 $0x7700;
	v53 =	vld [tilespmem:s2+$0x0]  }
0x13f: {  	v54 =	vld [tilespmem:s11+$0x0];
	_ =	sdelay $0x3  }
0x140: {  	v34 =	vmul.u32 $0x3, v53  }
0x141: {  	v35 =	vmul.u32 $0x3, v54;
	_ =	sdelay $0x3  }
0x142: {  	s12 =	simm.s32 $0x0  }
0x143: {  	v55 =	vld.idx.msk [tilespmem:v34+s12+$0x0], $0xffff  }
0x144: {  	v56 =	vld.idx.msk [tilespmem:v35+s12+$0x0], $0xffff;
	_ =	sdelay $0x1  }
0x145: {  	v57 =	vor.u32 s12, v0  }
0x146: {  	v58 =	vadd.s32 $0x1, v34  }
0x147: {  	v59 =	vadd.s32 $0x1, v35  }
0x148: {  	v36 =	vsub.f32 v55, v56;
	_ =	sdelay $0x1  }
0x149: {  	[tilespmem:v57+s5+$0x0] =	vst.idx.msk $0xffff, v36  }
0x14a: {  	v36 =	vld.idx.msk [tilespmem:v58+s12+$0x0], $0xffff  }
0x14b: {  	v60 =	vld.idx.msk [tilespmem:v59+s12+$0x0], $0xffff;
	_ =	sdelay $0x1  }
0x14c: {  	v61 =	vor.u32 s12, v1  }
0x14d: {  	v34 =	vadd.s32 $0x2, v34  }
0x14e: {  	v62 =	vadd.s32 $0x2, v35  }
0x14f: {  	v63 =	vsub.f32 v36, v60;
	_ =	sdelay $0x1  }
0x150: {  	[tilespmem:v61+s5+$0x0] =	vst.idx.msk $0xffff, v63  }
0x151: {  	v35 =	vld.idx.msk [tilespmem:v34+s12+$0x0], $0xffff  }
0x152: {  	v36 =	vld.idx.msk [tilespmem:v62+s12+$0x0], $0xffff  }
0x153: {  	s10 =	sor.u32 $0x1, s15;
	s17 =	simm.s32 $0x10;
	v34 =	vor.u32 s12, v2  }
.LBB2_7:
0x154: {  	_ =	sdelay $0x2  }
0x155: {  	p0 =	sne.s32 s17, $0x70;
	s2 =	sadd.s32 $0x10, s2;
	s11 =	sadd.s32 $0x10, s11;
	v35 =	vsub.f32 v35, v36  }
0x156: {  	s19 =	smov.u32 s17;
	s17 =	sadd.s32 $0x10, s17  }
0x157: {  	[tilespmem:v34+s5+$0x0] =	vst.idx.msk $0xffff, v35  }
0x158: {  	v34 =	vld [tilespmem:s2+$0x0]  }
0x159: {  	v35 =	vld [tilespmem:s11+$0x0];
	_ =	sdelay $0x3  }
0x15a: {  	v34 =	vmul.u32 $0x3, v34  }
0x15b: {  	v35 =	vmul.u32 $0x3, v35;
	_ =	sdelay $0x4  }
0x15c: {  	v36 =	vld.idx.msk [tilespmem:v34+s12+$0x0], $0xffff  }
0x15d: {  	v37 =	vld.idx.msk [tilespmem:v35+s12+$0x0], $0xffff;
	_ =	sdelay $0x2  }
0x15e: {  	v38 =	vor.u32 s19, v0  }
0x15f: {  	v39 =	vadd.s32 $0x1, v34;
	v40 =	vadd.s32 $0x1, v35;
	_ =	sdelay $0x1  }
0x160: {  	v36 =	vsub.f32 v36, v37;
	_ =	sdelay $0x1  }
0x161: {  	[tilespmem:v38+s5+$0x0] =	vst.idx.msk $0xffff, v36  }
0x162: {  	v36 =	vld.idx.msk [tilespmem:v39+s12+$0x0], $0xffff  }
0x163: {  	v37 =	vld.idx.msk [tilespmem:v40+s12+$0x0], $0xffff;
	_ =	sdelay $0x1  }
0x164: {  	v38 =	vor.u32 s19, v1;
	_ =	sdelay $0x1  }
0x165: {  	v34 =	vadd.s32 $0x2, v34;
	v39 =	vadd.s32 $0x2, v35;
	_ =	sdelay $0x1  }
0x166: {  	v35 =	vsub.f32 v36, v37  }
.Ltmp2:
0x167: {  	(pc) =	sbr.rel @p0 .LBB2_7-.Ltmp2, $4  }
0x168: {  	[tilespmem:v38+s5+$0x0] =	vst.idx.msk $0xffff, v35  }
0x169: {  	v35 =	vld.idx.msk [tilespmem:v34+s12+$0x0], $0xffff  }
0x16a: {  	v36 =	vld.idx.msk [tilespmem:v39+s12+$0x0], $0xffff  }
0x16b: {  	v34 =	vor.u32 s19, v2  }
0x16c: {  	s2 =	sand.u32 $0x70, s12  }
0x16d: {  	v46 =	vor.u32 s2, v0  }
0x16e: {  	s12 =	sand.u32 $0x70, s12;
	v37 =	vshll.u32 v46, $0x7  }
0x16f: {  	v40 =	vor.u32 s12, v37  }
0x170: {  	v37 =	vor.u32 v20, v40  }
0x171: {  	v38 =	vor.u32 v19, v40  }
0x172: {  	v35 =	vsub.f32 v35, v36;
	v56 =	vor.u32 v0, v40  }
0x173: {  	v39 =	vor.u32 v21, v40  }
0x174: {  	v58 =	vmov s12;
	v57 =	vor.u32 v26, v40;
	[tilespmem:v34+s5+$0x0] =	vst.idx.msk $0xffff, v35  }
0x175: {  	v41 =	vor.u32 v23, v40;
	v35 =	vshll.u32 v58, $0x7;
	v37 =	vld.idx.msk [tilespmem:v37+s28+$0x0], $0xffff  }
0x176: {  	v42 =	vor.u32 v22, v40;
	v44 =	vadd.s32 v18, v35;
	v38 =	vld.idx.msk [tilespmem:v38+s28+$0x0], $0xffff  }
0x177: {  	v43 =	vor.u32 v25, v40;
	v45 =	vadd.s32 v17, v35;
	v44 =	vor.u32 v46, v44;
	v36 =	vld.idx.msk [tilespmem:v56+s28+$0x0], $0xffff  }
0x178: {  	v47 =	vadd.s32 v16, v35;
	v45 =	vor.u32 v46, v45;
	v39 =	vld.idx.msk [tilespmem:v39+s28+$0x0], $0xffff  }
0x179: {  	v48 =	vadd.s32 v15, v35;
	v47 =	vor.u32 v46, v47;
	v34 =	vld.idx.msk [tilespmem:v57+s28+$0x0], $0xffff  }
0x17a: {  	v63 =	vor.u32 v24, v40;
	v50 =	vadd.s32 v14, v35;
	v48 =	vor.u32 v46, v48;
	v41 =	vld.idx.msk [tilespmem:v41+s28+$0x0], $0xffff  }
0x17b: {  	v58 =	vor.u32 v27, v40;
	v52 =	vadd.s32 v13, v35;
	v50 =	vor.u32 v46, v50;
	v42 =	vld.idx.msk [tilespmem:v42+s28+$0x0], $0xffff  }
0x17c: {  	v53 =	vadd.s32 v12, v35;
	v52 =	vor.u32 v46, v52;
	v43 =	vld.idx.msk [tilespmem:v43+s28+$0x0], $0xffff;
	[tilespmem:v44+s5+$0x0] =	vst.idx.msk $0xffff, v36  }
0x17d: {  	v60 =	vadd.s32 v11, v35;
	v59 =	vor.u32 v46, v53;
	[tilespmem:v45+s5+$0x0] =	vst.idx.msk $0xffff, v38  }
0x17e: {  	v49 =	vadd.s32 v6, v35;
	v61 =	vor.u32 v46, v60;
	[tilespmem:v47+s5+$0x0] =	vst.idx.msk $0xffff, v37  }
0x17f: {  	v51 =	vadd.s32 v5, v35;
	v62 =	vadd.s32 v4, v35;
	[tilespmem:v48+s5+$0x0] =	vst.idx.msk $0xffff, v39  }
0x180: {  	v60 =	vadd.s32 v10, v35;
	v56 =	vor.u32 v31, v40;
	[tilespmem:v50+s5+$0x0] =	vst.idx.msk $0xffff, v42  }
0x181: {  	v57 =	vor.u32 v29, v40;
	v36 =	vor.u32 v46, v49;
	[tilespmem:v52+s5+$0x0] =	vst.idx.msk $0xffff, v41  }
0x182: {  	v44 =	vor.u32 v33, v40;
	v48 =	vadd.s32 v3, v35;
	[tilespmem:v59+s5+$0x0] =	vst.idx.msk $0xffff, v43  }
0x183: {  	v39 =	vor.u32 v46, v62;
	v59 =	vor.u32 v28, v40;
	[tilespmem:v61+s5+$0x0] =	vst.idx.msk $0xffff, v34  }
0x184: {  	s17 =	simm.s32 $0x2;
	v62 =	vadd.s32 v8, v35;
	v37 =	vor.u32 v46, v48;
	v48 =	vor.u32 v32, v40;
	v42 =	vld.idx.msk [tilespmem:v63+s28+$0x0], $0xffff  }
0x185: {  	s2 =	sand.u32 $0x70, s17;
	v38 =	vor.u32 v46, v51;
	v49 =	vor.u32 v46, v62;
	v41 =	vor.u32 v30, v40;
	v40 =	vld.idx.msk [tilespmem:v56+s28+$0x0], $0xffff  }
0x186: {  	s11 =	simm.s32 $0x10;
	v43 =	vor.u32 v46, v60;
	v61 =	vadd.s32 v9, v35;
	v34 =	vor.u32 s2, v0;
	v45 =	vld.idx.msk [tilespmem:v57+s28+$0x0], $0xffff  }
0x187: {  	s19 =	sand.u32 $0x70, s11;
	v35 =	vadd.s32 v7, v35;
	v47 =	vor.u32 v46, v61;
	v63 =	vshll.u32 v34, $0x7;
	v51 =	vld.idx.msk [tilespmem:v58+s28+$0x0], $0xffff  }
0x188: {  	s12 =	simm.s32 $0x4;
	v50 =	vor.u32 v46, v35;
	v46 =	vmov s19;
	v35 =	vor.u32 s19, v63;
	v52 =	vld.idx.msk [tilespmem:v59+s28+$0x0], $0xffff  }
.LBB2_9:
0x189: {  	p0 =	sne.s32 s12, $0x7E;
	v53 =	vor.u32 v0, v35;
	v48 =	vld.idx.msk [tilespmem:v48+s28+$0x0], $0xffff;
	s2 =	smov.u32 s12;
	s12 =	sadd.s32 $0x2, s12  }
0x18a: {  	v54 =	vor.u32 v19, v35;
	v41 =	vld.idx.msk [tilespmem:v41+s28+$0x0], $0xffff  }
0x18b: {  	v55 =	vor.u32 v20, v35;
	v44 =	vld.idx.msk [tilespmem:v44+s28+$0x0], $0xffff  }
0x18c: {  	v56 =	vor.u32 v21, v35;
	[tilespmem:v43+s5+$0x0] =	vst.idx.msk $0xffff, v42  }
0x18d: {  	v42 =	vor.u32 v22, v35;
	v43 =	vor.u32 v26, v35;
	[tilespmem:v47+s5+$0x0] =	vst.idx.msk $0xffff, v51  }
0x18e: {  	v47 =	vor.u32 v23, v35;
	v51 =	vor.u32 v25, v35;
	[tilespmem:v49+s5+$0x0] =	vst.idx.msk $0xffff, v52  }
0x18f: {  	[tilespmem:v50+s5+$0x0] =	vst.idx.msk $0xffff, v45  }
0x190: {  	[tilespmem:v36+s5+$0x0] =	vst.idx.msk $0xffff, v41  }
0x191: {  	[tilespmem:v38+s5+$0x0] =	vst.idx.msk $0xffff, v40  }
0x192: {  	[tilespmem:v39+s5+$0x0] =	vst.idx.msk $0xffff, v48  }
0x193: {  	v46 =	vshll.u32 v46, $0x7;
	[tilespmem:v37+s5+$0x0] =	vst.idx.msk $0xffff, v44  }
0x194: {  	v36 =	vadd.s32 v6, v46;
	v38 =	vadd.s32 v5, v46;
	v37 =	vadd.s32 v17, v46;
	v40 =	vld.idx.msk [tilespmem:v55+s28+$0x0], $0xffff  }
0x195: {  	v36 =	vor.u32 v34, v36;
	v39 =	vadd.s32 v18, v46;
	v44 =	vadd.s32 v4, v46;
	v41 =	vld.idx.msk [tilespmem:v54+s28+$0x0], $0xffff  }
0x196: {  	v48 =	vor.u32 v34, v39;
	v49 =	vor.u32 v34, v37;
	v37 =	vadd.s32 v16, v46;
	v45 =	vld.idx.msk [tilespmem:v53+s28+$0x0], $0xffff  }
0x197: {  	v39 =	vadd.s32 v3, v46;
	v52 =	vor.u32 v34, v37;
	v37 =	vadd.s32 v15, v46;
	v50 =	vld.idx.msk [tilespmem:v56+s28+$0x0], $0xffff  }
0x198: {  	v54 =	vadd.s32 v14, v46;
	v53 =	vor.u32 v34, v37;
	v37 =	vor.u32 v34, v39;
	v43 =	vld.idx.msk [tilespmem:v43+s28+$0x0], $0xffff  }
0x199: {  	v38 =	vor.u32 v34, v38;
	v54 =	vor.u32 v34, v54;
	v39 =	vadd.s32 v13, v46;
	v47 =	vld.idx.msk [tilespmem:v47+s28+$0x0], $0xffff  }
0x19a: {  	v55 =	vor.u32 v34, v39;
	v56 =	vadd.s32 v12, v46;
	v39 =	vor.u32 v34, v44;
	v42 =	vld.idx.msk [tilespmem:v42+s28+$0x0], $0xffff  }
0x19b: {  	v44 =	vld.idx.msk [tilespmem:v51+s28+$0x0], $0xffff;
	v51 =	vor.u32 v34, v56;
	v56 =	vadd.s32 v11, v46  }
0x19c: {  	[tilespmem:v48+s5+$0x0] =	vst.idx.msk $0xffff, v45;
	v45 =	vor.u32 v34, v56  }
0x19d: {  	v56 =	vor.u32 v27, v35;
	[tilespmem:v49+s5+$0x0] =	vst.idx.msk $0xffff, v41  }
0x19e: {  	v49 =	vor.u32 v31, v35;
	[tilespmem:v52+s5+$0x0] =	vst.idx.msk $0xffff, v40;
	v40 =	vor.u32 v24, v35  }
0x19f: {  	[tilespmem:v53+s5+$0x0] =	vst.idx.msk $0xffff, v50  }
0x1a0: {  	v52 =	vor.u32 v28, v35;
	[tilespmem:v54+s5+$0x0] =	vst.idx.msk $0xffff, v42  }
0x1a1: {  	v50 =	vor.u32 v29, v35;
	[tilespmem:v55+s5+$0x0] =	vst.idx.msk $0xffff, v47  }
0x1a2: {  	v41 =	vor.u32 v30, v35;
	[tilespmem:v51+s5+$0x0] =	vst.idx.msk $0xffff, v44  }
0x1a3: {  	v48 =	vor.u32 v32, v35;
	[tilespmem:v45+s5+$0x0] =	vst.idx.msk $0xffff, v43;
	v43 =	vadd.s32 v10, v46  }
.Ltmp3:
0x1a4: {  	v44 =	vor.u32 v33, v35;
	v35 =	vadd.s32 v9, v46;
	v42 =	vld.idx.msk [tilespmem:v40+s28+$0x0], $0xffff;
	v43 =	vor.u32 v34, v43;
	(pc) =	sbr.rel @p0 .LBB2_9-.Ltmp3, $4  }
0x1a5: {  	s2 =	sand.u32 $0x70, s2;
	v47 =	vor.u32 v34, v35;
	v35 =	vadd.s32 v8, v46;
	v40 =	vld.idx.msk [tilespmem:v49+s28+$0x0], $0xffff  }
0x1a6: {  	s11 =	sadd.s32 $0x10, s11;
	v53 =	vor.u32 s2, v0;
	v49 =	vor.u32 v34, v35;
	v35 =	vadd.s32 v7, v46;
	v45 =	vld.idx.msk [tilespmem:v50+s28+$0x0], $0xffff  }
0x1a7: {  	s2 =	sand.u32 $0x70, s11;
	v54 =	vshll.u32 v53, $0x7;
	v50 =	vor.u32 v34, v35;
	v34 =	vmov v53;
	v51 =	vld.idx.msk [tilespmem:v56+s28+$0x0], $0xffff  }
0x1a8: {  	v46 =	vmov s2;
	v35 =	vor.u32 s2, v54;
	v52 =	vld.idx.msk [tilespmem:v52+s28+$0x0], $0xffff  }
0x1a9: {  	_ =	sdelay $0x3  }
0x1aa: {  	v48 =	vld.idx.msk [tilespmem:v48+s28+$0x0], $0xffff  }
0x1ab: {  	v41 =	vld.idx.msk [tilespmem:v41+s28+$0x0], $0xffff  }
0x1ac: {  	v44 =	vld.idx.msk [tilespmem:v44+s28+$0x0], $0xffff;
	[tilespmem:v43+s5+$0x0] =	vst.idx.msk $0xffff, v42  }
0x1ad: {  	[tilespmem:v47+s5+$0x0] =	vst.idx.msk $0xffff, v51  }
0x1ae: {  	[tilespmem:v49+s5+$0x0] =	vst.idx.msk $0xffff, v52  }
0x1af: {  	v47 =	vor.u32 v20, v35;
	[tilespmem:v50+s5+$0x0] =	vst.idx.msk $0xffff, v45  }
0x1b0: {  	v49 =	vor.u32 v19, v35;
	[tilespmem:v36+s5+$0x0] =	vst.idx.msk $0xffff, v41  }
0x1b1: {  	v50 =	vor.u32 v0, v35;
	[tilespmem:v38+s5+$0x0] =	vst.idx.msk $0xffff, v40  }
0x1b2: {  	v51 =	vor.u32 v21, v35;
	[tilespmem:v39+s5+$0x0] =	vst.idx.msk $0xffff, v48  }
0x1b3: {  	v52 =	vor.u32 v26, v35;
	[tilespmem:v37+s5+$0x0] =	vst.idx.msk $0xffff, v44  }
0x1b4: {  	v53 =	vor.u32 v23, v35;
	v42 =	vshll.u32 v46, $0x7;
	v40 =	vld.idx.msk [tilespmem:v47+s28+$0x0], $0xffff  }
0x1b5: {  	v54 =	vor.u32 v22, v35;
	v56 =	vadd.s32 v18, v42;
	v43 =	vld.idx.msk [tilespmem:v49+s28+$0x0], $0xffff  }
0x1b6: {  	v55 =	vor.u32 v25, v35;
	v46 =	vadd.s32 v17, v42;
	v45 =	vor.u32 v34, v56;
	v36 =	vld.idx.msk [tilespmem:v50+s28+$0x0], $0xffff  }
0x1b7: {  	v57 =	vadd.s32 v16, v42;
	v46 =	vor.u32 v34, v46;
	v38 =	vld.idx.msk [tilespmem:v51+s28+$0x0], $0xffff  }
0x1b8: {  	v58 =	vadd.s32 v15, v42;
	v39 =	vld.idx.msk [tilespmem:v52+s28+$0x0], $0xffff;
	v47 =	vor.u32 v34, v57  }
0x1b9: {  	v59 =	vadd.s32 v14, v42;
	v48 =	vor.u32 v34, v58;
	v37 =	vld.idx.msk [tilespmem:v53+s28+$0x0], $0xffff  }
0x1ba: {  	v60 =	vadd.s32 v13, v42;
	v41 =	vld.idx.msk [tilespmem:v54+s28+$0x0], $0xffff;
	v49 =	vor.u32 v34, v59  }
0x1bb: {  	v61 =	vadd.s32 v12, v42;
	v44 =	vld.idx.msk [tilespmem:v55+s28+$0x0], $0xffff;
	v50 =	vor.u32 v34, v60;
	[tilespmem:v45+s5+$0x0] =	vst.idx.msk $0xffff, v36  }
0x1bc: {  	v63 =	vadd.s32 v11, v42;
	v62 =	vor.u32 v34, v61;
	[tilespmem:v46+s5+$0x0] =	vst.idx.msk $0xffff, v43  }
0x1bd: {  	v45 =	vor.u32 v34, v63;
	[tilespmem:v47+s5+$0x0] =	vst.idx.msk $0xffff, v40  }
0x1be: {  	v46 =	vor.u32 v24, v35;
	[tilespmem:v48+s5+$0x0] =	vst.idx.msk $0xffff, v38  }
0x1bf: {  	v47 =	vor.u32 v31, v35;
	[tilespmem:v49+s5+$0x0] =	vst.idx.msk $0xffff, v41  }
0x1c0: {  	v48 =	vor.u32 v29, v35;
	[tilespmem:v50+s5+$0x0] =	vst.idx.msk $0xffff, v37  }
0x1c1: {  	v49 =	vor.u32 v27, v35;
	[tilespmem:v62+s5+$0x0] =	vst.idx.msk $0xffff, v44  }
0x1c2: {  	v50 =	vor.u32 v28, v35;
	[tilespmem:v45+s5+$0x0] =	vst.idx.msk $0xffff, v39  }
0x1c3: {  	v51 =	vor.u32 v32, v35;
	v40 =	vld.idx.msk [tilespmem:v46+s28+$0x0], $0xffff  }
0x1c4: {  	v52 =	vor.u32 v30, v35;
	v53 =	vadd.s32 v10, v42;
	v38 =	vld.idx.msk [tilespmem:v47+s28+$0x0], $0xffff  }
0x1c5: {  	v54 =	vor.u32 v33, v35;
	v55 =	vadd.s32 v9, v42;
	v44 =	vor.u32 v34, v53;
	v37 =	vld.idx.msk [tilespmem:v48+s28+$0x0], $0xffff  }
0x1c6: {  	v56 =	vadd.s32 v8, v42;
	v45 =	vor.u32 v34, v55;
	v41 =	vld.idx.msk [tilespmem:v49+s28+$0x0], $0xffff  }
0x1c7: {  	v57 =	vadd.s32 v7, v42;
	v46 =	vor.u32 v34, v56;
	v36 =	vld.idx.msk [tilespmem:v50+s28+$0x0], $0xffff  }
0x1c8: {  	v58 =	vadd.s32 v6, v42;
	v39 =	vld.idx.msk [tilespmem:v51+s28+$0x0], $0xffff;
	v47 =	vor.u32 v34, v57  }
0x1c9: {  	v59 =	vadd.s32 v5, v42;
	v43 =	vld.idx.msk [tilespmem:v52+s28+$0x0], $0xffff;
	v48 =	vor.u32 v34, v58  }
0x1ca: {  	v60 =	vadd.s32 v4, v42;
	v35 =	vld.idx.msk [tilespmem:v54+s28+$0x0], $0xffff;
	v49 =	vor.u32 v34, v59;
	[tilespmem:v44+s5+$0x0] =	vst.idx.msk $0xffff, v40  }
0x1cb: {  	v61 =	vadd.s32 v3, v42;
	v62 =	vor.u32 v34, v60;
	[tilespmem:v45+s5+$0x0] =	vst.idx.msk $0xffff, v41  }
0x1cc: {  	v63 =	vor.u32 v34, v61;
	[tilespmem:v46+s5+$0x0] =	vst.idx.msk $0xffff, v36  }
0x1cd: {  	[tilespmem:v47+s5+$0x0] =	vst.idx.msk $0xffff, v37  }
0x1ce: {  	[tilespmem:v48+s5+$0x0] =	vst.idx.msk $0xffff, v43  }
0x1cf: {  	s2 =	smin.u32 s10, s7;
	[tilespmem:v49+s5+$0x0] =	vst.idx.msk $0xffff, v38  }
0x1d0: {  	s2 =	sshll.u32 s2, $0xC;
	[tilespmem:v62+s5+$0x0] =	vst.idx.msk $0xffff, v39  }
0x1d1: {  	s2 =	sadd.s32 s2, s13;
	[tilespmem:v63+s5+$0x0] =	vst.idx.msk $0xffff, v35  }
0x1d2: {  	[hbm4b:s2+s30] =	stream.strided.scatter [tilespmem:s5], [sflag:$0x8], $0x4000, s31, s30, $0x38;
	[tilespmem:$0x17F80] =	vst v63  }
0x1d3: {  	s15 =	sadd.s32 $0x3, s15;
	s2 =	sadd.s32 $0x4E2000, s2  }
0x1d4: {  	[hbm4b:s2+s3] =	stream.linear.scatter [tilespmem:s9], [sflag:$0x8], $0x180, $0x38;
	[tilespmem:$0x17F80] =	vst v63  }
0x1d5: {  	s14 =	sadd.s32 $0x1, s14;
	s2 =	smin.u32 s15, s7  }
0x1d6: {  	p0 =	sne.s32 s14, $0x28;
	s2 =	sshll.u32 s2, $0x9  }
.Ltmp4:
0x1d7: {  	s2 =	sor.u32 s8, s2;
	(pc) =	sbr.rel @p0 .LBB2_2-.Ltmp4, $4  }
0x1d8: {  	s17 =	sadd.s32 s6, s2  }
0x1d9: {  	[tilespmem:s18], [sflag:$0x2] =	stream.linear.gather [hbm4b:s17+s3], $0x80, $0x38;
	[tilespmem:$0x17F80] =	vst v63  }
0x1da: {  	s19 =	simm.s32 $0x7700;
	s2 =	sadd.s32 s1, s2  }
0x1db: {  	[tilespmem:s19], [sflag:$0x4] =	stream.linear.gather [hbm4b:s2+s3], $0x80, $0x38;
	[tilespmem:$0x17F80] =	vst v63  }
0x1dc: {  	_ =	swait.ge [sflag:s24], $0x4000  }
0x1dd: {  	[sflag:s24] =	ssyncset.done $0x0  }
0x1de: {  	[sflag:s24] =	ssyncadd.s32 $0xFFFFC000  }
0x1df: {  	_ =	swait.ge [sflag:s25], $0x80  }
0x1e0: {  	[sflag:s25] =	ssyncset.done $0x0  }
0x1e1: {  	[sflag:s25] =	ssyncadd.s32 $0xFFFFFF80  }
0x1e2: {  	_ =	swait.ge [sflag:s26], $0x80  }
0x1e3: {  	[sflag:s26] =	ssyncset.done $0x0  }
0x1e4: {  	s2 =	simm.s32 $0x7;
	[sflag:s26] =	ssyncadd.s32 $0xFFFFFF80  }
0x1e5: {  	_ =	swait.ge [sflag:s2], $0x4180  }
0x1e6: {  	[sflag:s2] =	ssyncset.done $0x0  }
0x1e7: {  	s10 =	simm.s32 $0x8;
	[sflag:s2] =	ssyncadd.s32 $0xFFFFBE80  }
0x1e8: {  	_ =	swait.ge [sflag:s10], $0x4180  }
0x1e9: {  	s11 =	rddreg [dreg:$0xa]  }
0x1ea: {  	s19 =	rddreg [dreg:$0x9];
	s11 =	sadd.s32 $0x1, s11  }
0x1eb: {  	p0 =	sne.s32 s11, s19  }
.Ltmp5:
0x1ec: {  	_ = 	snop;
	(pc) =	sbr.rel @p0 .LBB2_1-.Ltmp5, $3  }
0x1ed: {  	_ =	sdelay $0x1  }
0x1ee: {  	[sflag:s10] =	ssyncset.done $0x0  }
0x1ef: {  	[sflag:s10] =	ssyncadd.s32 $0xFFFFBE80  }
0x1f0: {  	_ =	sfence.sel $0x180000  }
0x1f1: {  	[bflag:$0x0] =	sbarrier.arrive $0xFFFF  }
0x1f2: {  	_ =	strace $0x90000047  }
0x1f3: {  	s0 =	stileid.u32;
	[bflag:$0x2] =	sbarrier.arrive $0xFFFF  }
0x1f4: {  	p0 =	sne.s32 s0, $0x0;
	s0 =	rddreg [dreg:$0x3]  }
0x1f5: {  	s0 =	sadd.s32 @!p0 $0x100000, s0  }
0x1f6: {  	[sflag:s0] =	ssyncadd.tile.s32 @!p0 $0x1;
	_ =	shalt  }
.Lfunc_end2:
_tile_overlayer_lowered:
.L_overlay_start_2:
0x1f7: {  	(tag) =	ssettag $0x2  }
0x1f8: {  	s0 =	rddreg [dreg:$0x0];
	s2 =	stileid.u32  }
0x1f9: {  	s1 =	rddreg [dreg:$0x1];
	p0 =	sne.s32 s2, $0x0  }
0x1fa: {  	s3 =	rddreg [dreg:$0x2];
	[bflag:$0x3] =	sbarrier.arrive $0xFFFF;
	s2 =	simm.s32 @!p0 $0x1C09  }
0x1fb: {  	[timem:s3], [sflag:s2] =	dma.local @!p0 [hbm:s0], s1  }
0x1fc: {  	s0 =	simm.s32 @!p0 $0x9  }
0x1fd: {  	_ =	swait.ge @!p0 [sflag:s0], s1  }
0x1fe: {  	s1 =	ssub.s32 @!p0 $0x0, s1;
	[sflag:s0] =	ssyncset.done @!p0 $0x0  }
0x1ff: {  	[sflag:s0] =	ssyncadd.s32 @!p0 s1  }
0x200: {  	[bflag:$0x3] =	sbarrier.arrive $0xFFFF  }
0x201: {  	_ =	shalt  }

</sc_bundles>
